<compile_context>
chip_gen: v7x
topology: tpu7x:2x2x1
jax: 0.10.2.dev20260603
libtpu: 0.0.44.dev20260713+nightly
codegen_flags: <defaults>
</compile_context>

<pallas_src>
import jax
import jax.numpy as jnp
from jax import lax
from jax.experimental import pallas as pl
from jax.experimental.pallas import tpu as pltpu
from jax.experimental.pallas import tpu_sc as plsc

_K = 8192
_D = 256
_N = 16384
_TN = 1024
_KT = 2048

_NC = 2
_NS = 16
_NW = _NC * _NS
_BPW = _N // _NW
_CH = 128


def _dist_argmin_body(x_ref, w_ref, sx_ref, sw_ref, idx_ref):
    x = x_ref[...]
    sx = sx_ref[...]
    halves = []
    for h in range(2):
        best = jnp.full((_TN,), jnp.inf, jnp.float32)
        bidx = jnp.zeros((_TN,), jnp.int32)
        for c in range(_K // _KT // 2):
            kt = h * (_K // _KT // 2) + c
            w = w_ref[kt * _KT:(kt + 1) * _KT, :]
            mm = lax.dot_general(
                x, w, (((1,), (1,)), ((), ())),
                preferred_element_type=jnp.float32)
            d = (sx - mm) + sw_ref[:, kt * _KT:(kt + 1) * _KT]
            cmin = jnp.min(d, axis=1)
            iota = lax.broadcasted_iota(jnp.int32, (_TN, _KT), 1) + kt * _KT
            cidx = jnp.min(jnp.where(d == cmin[:, None], iota, _K), axis=1)
            upd = cmin < best
            bidx = jnp.where(upd, cidx, bidx)
            best = jnp.where(upd, cmin, best)
        halves.append((best, bidx))
    (b0, i0), (b1, i1) = halves
    state = b0.astype(jnp.bfloat16).astype(jnp.float32)
    use_hi = b1 < state
    idx_ref[...] = jnp.where(use_hi, i1, i0)[:, None]


def _sc_gather_body(w_hbm, idx_hbm, out_hbm, idx_v, rows_v, sem):
    wid = lax.axis_index("s") * _NC + lax.axis_index("c")
    base = wid * _BPW
    for c in range(_BPW // _CH):
        r0 = base + c * _CH
        pltpu.sync_copy(idx_hbm.at[pl.ds(r0, _CH)], idx_v)
        pltpu.async_copy(w_hbm.at[idx_v], rows_v, sem).wait()
        pltpu.sync_copy(rows_v, out_hbm.at[pl.ds(r0, _CH)])


def _sc_gather(embedding_weight, idx_flat):
    return pl.kernel(
        _sc_gather_body,
        out_type=jax.ShapeDtypeStruct((_N, _D), jnp.float32),
        mesh=plsc.VectorSubcoreMesh(core_axis_name="c", subcore_axis_name="s"),
        scratch_types=[
            pltpu.VMEM((_CH,), jnp.int32),
            pltpu.VMEM((_CH, _D), jnp.float32),
            pltpu.SemaphoreType.DMA,
        ],
    )(embedding_weight, idx_flat)


def _st_loss_body(x_ref, q_ref, st_ref, ps_ref):
    x = x_ref[...]
    q = q_ref[...]
    d = q - x
    st_ref[...] = x + d
    ps_ref[...] = jnp.sum(d * d).reshape(1, 1, 1)


def _loss_combine_body(ps_ref, out_ref):
    m = jnp.sum(ps_ref[...]) * (1.0 / 4194304.0)
    out_ref[...] = (0.25 * m + m).reshape(1, 1)


def kernel(inputs, embedding_weight):
    B, C, H, W = inputs.shape
    flat_x = jnp.transpose(inputs, (0, 2, 3, 1)).reshape(_N, _D)
    x_b = (2.0 * flat_x).astype(jnp.bfloat16)
    w_b = embedding_weight.astype(jnp.bfloat16)
    x_iso = jax.lax.optimization_barrier(inputs)
    sx = jnp.sum(jnp.transpose(x_iso, (0, 2, 3, 1)).reshape(_N, _D) ** 2,
                 axis=1, keepdims=True)
    sw = jnp.sum(embedding_weight ** 2, axis=1).reshape(1, _K)

    idx2d = pl.pallas_call(
        _dist_argmin_body,
        grid=(_N // _TN,),
        in_specs=[
            pl.BlockSpec((_TN, _D), lambda i: (i, 0)),
            pl.BlockSpec((_K, _D), lambda i: (0, 0)),
            pl.BlockSpec((_TN, 1), lambda i: (i, 0)),
            pl.BlockSpec((1, _K), lambda i: (0, 0)),
        ],
        out_specs=pl.BlockSpec((_TN, 1), lambda i: (i, 0)),
        out_shape=jax.ShapeDtypeStruct((_N, 1), jnp.int32),
    )(x_b, w_b, sx, sw)
    idx_flat = idx2d.reshape(_N)

    q_flat = _sc_gather(embedding_weight, idx_flat)

    st_flat, ps = pl.pallas_call(
        _st_loss_body,
        grid=(16,),
        in_specs=[
            pl.BlockSpec((_N // 16, _D), lambda i: (i, 0)),
            pl.BlockSpec((_N // 16, _D), lambda i: (i, 0)),
        ],
        out_specs=[
            pl.BlockSpec((_N // 16, _D), lambda i: (i, 0)),
            pl.BlockSpec((1, 1, 1), lambda i: (i, 0, 0)),
        ],
        out_shape=[
            jax.ShapeDtypeStruct((_N, _D), jnp.float32),
            jax.ShapeDtypeStruct((16, 1, 1), jnp.float32),
        ],
    )(flat_x, q_flat)

    loss = pl.pallas_call(
        _loss_combine_body,
        in_specs=[pl.BlockSpec((16, 1, 1), lambda: (0, 0, 0))],
        out_specs=pl.BlockSpec((1, 1), lambda: (0, 0)),
        out_shape=jax.ShapeDtypeStruct((1, 1), jnp.float32),
    )(ps)[0, 0]

    quantized_st = jnp.transpose(st_flat.reshape(B, H, W, C), (0, 3, 1, 2))
    return quantized_st, loss, idx_flat.reshape(B, H, W)

# --- scband reference (transcript-rebuilt; emitter-appended) ---
"""Pipeline reference for scband-vector-quantizer-17291538334229 (READ-ONLY COPY).

The authoritative reference and input builder live on the scoring server;
editing this copy changes nothing except your own understanding.
"""

import jax, jax.numpy as jnp
import numpy as np

NUM_EMBEDDINGS = 8192
EMBEDDING_DIM = 256
COMMITMENT_COST = 0.25

def setup_inputs(seed: int = 0) -> dict:
    key = jax.random.key(seed)
    k1, k2 = jax.random.split(key)
    inputs = jax.random.normal(k1, (16, 256, 32, 32), dtype=jnp.float32)
    # embedding initialized uniform(-1/K, 1/K) as in the torch module
    embedding_weight = jax.random.uniform(
        k2, (NUM_EMBEDDINGS, EMBEDDING_DIM), dtype=jnp.float32,
        minval=-1.0 / NUM_EMBEDDINGS, maxval=1.0 / NUM_EMBEDDINGS)
    return {"inputs": inputs, "embedding_weight": embedding_weight}

def reference(inputs, embedding_weight):
    B, C, H, W = inputs.shape
    x = jnp.transpose(inputs, (0, 2, 3, 1))  # BHWC
    flat_input = x.reshape(-1, EMBEDDING_DIM)
    distances = (jnp.sum(flat_input ** 2, axis=1, keepdims=True)
                 - 2.0 * flat_input @ embedding_weight.T
                 + jnp.sum(embedding_weight ** 2, axis=1))
    encoding_indices = jnp.argmin(distances, axis=1)
    encodings = jax.nn.one_hot(encoding_indices, NUM_EMBEDDINGS, dtype=flat_input.dtype)
    quantized = (encodings @ embedding_weight).reshape(x.shape)
    quantized_bchw = jnp.transpose(quantized, (0, 3, 1, 2))
    commitment_loss = COMMITMENT_COST * jnp.mean(
        (jax.lax.stop_gradient(quantized_bchw) - inputs) ** 2)
    embedding_loss = jnp.mean((quantized_bchw - jax.lax.stop_gradient(inputs)) ** 2)
    loss = commitment_loss + embedding_loss
    quantized_st = inputs + jax.lax.stop_gradient(quantized_bchw - inputs)
    return quantized_st, loss, encoding_indices.reshape(B, H, W)

if __name__ == "__main__":
    import jax
    _d = setup_inputs()
    print(jax.jit(kernel)(*tuple(_d.values())))

</pallas_src>

<mosaic_0001>
#map = affine_map<(d0, d1) -> (0, 0)>
#map1 = affine_map<(d0, d1) -> (0)>
module attributes {stable_mosaic.version = 14 : i64} {
  func.func @_sc_gather_body(%arg0: i32, %arg1: i32, %arg2: memref<8192x256xf32, #tpu.memory_space<hbm>>, %arg3: memref<16384xi32, #tpu.memory_space<hbm>>, %arg4: memref<16384x256xf32, #tpu.memory_space<hbm>>, %arg5: memref<128xi32, #tpu.memory_space<vmem>>, %arg6: memref<128x256xf32, #tpu.memory_space<vmem>>, %arg7: memref<!tpu.dma_semaphore, #tpu.memory_space<semaphore_mem>>) attributes {dimension_semantics = [#tpu.dimension_semantics<core_parallel>, #tpu.dimension_semantics<subcore_parallel>], iteration_bounds = array<i64: 2, 16>, scalar_prefetch = 0 : i64, scratch_operands = 3 : i64, tpu.core_type = #tpu.core_type<sc_vector_subcore>, window_params = [{transform_indices = #map}, {transform_indices = #map1}, {transform_indices = #map}]} {
    %mul3A = arith.constant 2 : i32
    %mul3A_0 = arith.muli %arg1, %mul3A : i32
    %add3A = arith.addi %mul3A_0, %arg0 : i32
    %mul3A_1 = arith.constant 512 : i32
    %mul3A_2 = arith.muli %add3A, %mul3A_1 : i32
    %add3A_3 = arith.constant 0 : i32
    %add3A_4 = arith.addi %mul3A_2, %add3A_3 : i32
    "tpu.region"() ({
      %run_scoped3A = tpu.sem_alloc : memref<!tpu.dma_semaphore, #tpu.memory_space<semaphore_mem>>
      %dma_start3A_33 = tpu.memref_slice %arg3[%add3A_4] : memref<16384xi32, #tpu.memory_space<hbm>> -> memref<128xi32, #tpu.memory_space<hbm>>
      %dma_start3A_34 = tpu.memref_slice %arg3[%add3A_4] : memref<16384xi32, #tpu.memory_space<hbm>> -> memref<128xi32, #tpu.memory_space<hbm>>
      tpu.enqueue_dma source(%dma_start3A_34 : memref<128xi32, #tpu.memory_space<hbm>>) target(%arg5 : memref<128xi32, #tpu.memory_space<vmem>>) target_semaphore(%run_scoped3A : memref<!tpu.dma_semaphore, #tpu.memory_space<semaphore_mem>>)
      %dma_wait3A_35 = tpu.memref_slice %arg3[%add3A_4] : memref<16384xi32, #tpu.memory_space<hbm>> -> memref<128xi32, #tpu.memory_space<hbm>>
      %dma_wait3A_36 = tpu.memref_slice %arg3[%add3A_4] : memref<16384xi32, #tpu.memory_space<hbm>> -> memref<128xi32, #tpu.memory_space<hbm>>
      tpu.wait_dma2 semaphore(%run_scoped3A : memref<!tpu.dma_semaphore, #tpu.memory_space<semaphore_mem>>) src(%dma_wait3A_36 : memref<128xi32, #tpu.memory_space<hbm>>) dst(%arg5 : memref<128xi32, #tpu.memory_space<vmem>>)
      tpu.yield
    }) : () -> ()
    %dma_start3A = arith.constant 0 : i32
    %dma_start3A_5 = arith.constant 0 : i32
    %dma_start3A_6 = tpu.memref_slice %arg2[%dma_start3A, %dma_start3A_5] : memref<8192x256xf32, #tpu.memory_space<hbm>> -> memref<8192x256xf32, #tpu.memory_space<hbm>>
    tpu.enqueue_indirect_dma source(%dma_start3A_6 : memref<8192x256xf32, #tpu.memory_space<hbm>>) target(%arg6 : memref<128x256xf32, #tpu.memory_space<vmem>>) offsets(%arg5 : memref<128xi32, #tpu.memory_space<vmem>>) semaphore(%arg7 : memref<!tpu.dma_semaphore, #tpu.memory_space<semaphore_mem>>)
    %dma_wait3A = arith.constant 0 : i32
    %dma_wait3A_7 = arith.constant 0 : i32
    %dma_wait3A_8 = tpu.memref_slice %arg2[%dma_wait3A, %dma_wait3A_7] : memref<8192x256xf32, #tpu.memory_space<hbm>> -> memref<8192x256xf32, #tpu.memory_space<hbm>>
    tpu.wait_indirect_dma semaphore(%arg7 : memref<!tpu.dma_semaphore, #tpu.memory_space<semaphore_mem>>) src(%dma_wait3A_8 : memref<8192x256xf32, #tpu.memory_space<hbm>>) dst(%arg6 : memref<128x256xf32, #tpu.memory_space<vmem>>)
    "tpu.region"() ({
      %run_scoped3A = tpu.sem_alloc : memref<!tpu.dma_semaphore, #tpu.memory_space<semaphore_mem>>
      %dma_start3A_33 = arith.constant 0 : i32
      %dma_start3A_34 = tpu.memref_slice %arg4[%add3A_4, %dma_start3A_33] : memref<16384x256xf32, #tpu.memory_space<hbm>> -> memref<128x256xf32, #tpu.memory_space<hbm>>
      %dma_start3A_35 = arith.constant 0 : i32
      %dma_start3A_36 = tpu.memref_slice %arg4[%add3A_4, %dma_start3A_35] : memref<16384x256xf32, #tpu.memory_space<hbm>> -> memref<128x256xf32, #tpu.memory_space<hbm>>
      tpu.enqueue_dma source(%arg6 : memref<128x256xf32, #tpu.memory_space<vmem>>) target(%dma_start3A_36 : memref<128x256xf32, #tpu.memory_space<hbm>>) target_semaphore(%run_scoped3A : memref<!tpu.dma_semaphore, #tpu.memory_space<semaphore_mem>>)
      %dma_wait3A_37 = arith.constant 0 : i32
      %dma_wait3A_38 = tpu.memref_slice %arg4[%add3A_4, %dma_wait3A_37] : memref<16384x256xf32, #tpu.memory_space<hbm>> -> memref<128x256xf32, #tpu.memory_space<hbm>>
      %dma_wait3A_39 = arith.constant 0 : i32
      %dma_wait3A_40 = tpu.memref_slice %arg4[%add3A_4, %dma_wait3A_39] : memref<16384x256xf32, #tpu.memory_space<hbm>> -> memref<128x256xf32, #tpu.memory_space<hbm>>
      tpu.wait_dma2 semaphore(%run_scoped3A : memref<!tpu.dma_semaphore, #tpu.memory_space<semaphore_mem>>) src(%arg6 : memref<128x256xf32, #tpu.memory_space<vmem>>) dst(%dma_wait3A_40 : memref<128x256xf32, #tpu.memory_space<hbm>>)
      tpu.yield
    }) : () -> ()
    %add3A_9 = arith.constant 128 : i32
    %add3A_10 = arith.addi %mul3A_2, %add3A_9 : i32
    "tpu.region"() ({
      %run_scoped3A = tpu.sem_alloc : memref<!tpu.dma_semaphore, #tpu.memory_space<semaphore_mem>>
      %dma_start3A_33 = tpu.memref_slice %arg3[%add3A_10] : memref<16384xi32, #tpu.memory_space<hbm>> -> memref<128xi32, #tpu.memory_space<hbm>>
      %dma_start3A_34 = tpu.memref_slice %arg3[%add3A_10] : memref<16384xi32, #tpu.memory_space<hbm>> -> memref<128xi32, #tpu.memory_space<hbm>>
      tpu.enqueue_dma source(%dma_start3A_34 : memref<128xi32, #tpu.memory_space<hbm>>) target(%arg5 : memref<128xi32, #tpu.memory_space<vmem>>) target_semaphore(%run_scoped3A : memref<!tpu.dma_semaphore, #tpu.memory_space<semaphore_mem>>)
      %dma_wait3A_35 = tpu.memref_slice %arg3[%add3A_10] : memref<16384xi32, #tpu.memory_space<hbm>> -> memref<128xi32, #tpu.memory_space<hbm>>
      %dma_wait3A_36 = tpu.memref_slice %arg3[%add3A_10] : memref<16384xi32, #tpu.memory_space<hbm>> -> memref<128xi32, #tpu.memory_space<hbm>>
      tpu.wait_dma2 semaphore(%run_scoped3A : memref<!tpu.dma_semaphore, #tpu.memory_space<semaphore_mem>>) src(%dma_wait3A_36 : memref<128xi32, #tpu.memory_space<hbm>>) dst(%arg5 : memref<128xi32, #tpu.memory_space<vmem>>)
      tpu.yield
    }) : () -> ()
    %dma_start3A_11 = arith.constant 0 : i32
    %dma_start3A_12 = arith.constant 0 : i32
    %dma_start3A_13 = tpu.memref_slice %arg2[%dma_start3A_11, %dma_start3A_12] : memref<8192x256xf32, #tpu.memory_space<hbm>> -> memref<8192x256xf32, #tpu.memory_space<hbm>>
    tpu.enqueue_indirect_dma source(%dma_start3A_13 : memref<8192x256xf32, #tpu.memory_space<hbm>>) target(%arg6 : memref<128x256xf32, #tpu.memory_space<vmem>>) offsets(%arg5 : memref<128xi32, #tpu.memory_space<vmem>>) semaphore(%arg7 : memref<!tpu.dma_semaphore, #tpu.memory_space<semaphore_mem>>)
    %dma_wait3A_14 = arith.constant 0 : i32
    %dma_wait3A_15 = arith.constant 0 : i32
    %dma_wait3A_16 = tpu.memref_slice %arg2[%dma_wait3A_14, %dma_wait3A_15] : memref<8192x256xf32, #tpu.memory_space<hbm>> -> memref<8192x256xf32, #tpu.memory_space<hbm>>
    tpu.wait_indirect_dma semaphore(%arg7 : memref<!tpu.dma_semaphore, #tpu.memory_space<semaphore_mem>>) src(%dma_wait3A_16 : memref<8192x256xf32, #tpu.memory_space<hbm>>) dst(%arg6 : memref<128x256xf32, #tpu.memory_space<vmem>>)
    "tpu.region"() ({
      %run_scoped3A = tpu.sem_alloc : memref<!tpu.dma_semaphore, #tpu.memory_space<semaphore_mem>>
      %dma_start3A_33 = arith.constant 0 : i32
      %dma_start3A_34 = tpu.memref_slice %arg4[%add3A_10, %dma_start3A_33] : memref<16384x256xf32, #tpu.memory_space<hbm>> -> memref<128x256xf32, #tpu.memory_space<hbm>>
      %dma_start3A_35 = arith.constant 0 : i32
      %dma_start3A_36 = tpu.memref_slice %arg4[%add3A_10, %dma_start3A_35] : memref<16384x256xf32, #tpu.memory_space<hbm>> -> memref<128x256xf32, #tpu.memory_space<hbm>>
      tpu.enqueue_dma source(%arg6 : memref<128x256xf32, #tpu.memory_space<vmem>>) target(%dma_start3A_36 : memref<128x256xf32, #tpu.memory_space<hbm>>) target_semaphore(%run_scoped3A : memref<!tpu.dma_semaphore, #tpu.memory_space<semaphore_mem>>)
      %dma_wait3A_37 = arith.constant 0 : i32
      %dma_wait3A_38 = tpu.memref_slice %arg4[%add3A_10, %dma_wait3A_37] : memref<16384x256xf32, #tpu.memory_space<hbm>> -> memref<128x256xf32, #tpu.memory_space<hbm>>
      %dma_wait3A_39 = arith.constant 0 : i32
      %dma_wait3A_40 = tpu.memref_slice %arg4[%add3A_10, %dma_wait3A_39] : memref<16384x256xf32, #tpu.memory_space<hbm>> -> memref<128x256xf32, #tpu.memory_space<hbm>>
      tpu.wait_dma2 semaphore(%run_scoped3A : memref<!tpu.dma_semaphore, #tpu.memory_space<semaphore_mem>>) src(%arg6 : memref<128x256xf32, #tpu.memory_space<vmem>>) dst(%dma_wait3A_40 : memref<128x256xf32, #tpu.memory_space<hbm>>)
      tpu.yield
    }) : () -> ()
    %add3A_17 = arith.constant 256 : i32
    %add3A_18 = arith.addi %mul3A_2, %add3A_17 : i32
    "tpu.region"() ({
      %run_scoped3A = tpu.sem_alloc : memref<!tpu.dma_semaphore, #tpu.memory_space<semaphore_mem>>
      %dma_start3A_33 = tpu.memref_slice %arg3[%add3A_18] : memref<16384xi32, #tpu.memory_space<hbm>> -> memref<128xi32, #tpu.memory_space<hbm>>
      %dma_start3A_34 = tpu.memref_slice %arg3[%add3A_18] : memref<16384xi32, #tpu.memory_space<hbm>> -> memref<128xi32, #tpu.memory_space<hbm>>
      tpu.enqueue_dma source(%dma_start3A_34 : memref<128xi32, #tpu.memory_space<hbm>>) target(%arg5 : memref<128xi32, #tpu.memory_space<vmem>>) target_semaphore(%run_scoped3A : memref<!tpu.dma_semaphore, #tpu.memory_space<semaphore_mem>>)
      %dma_wait3A_35 = tpu.memref_slice %arg3[%add3A_18] : memref<16384xi32, #tpu.memory_space<hbm>> -> memref<128xi32, #tpu.memory_space<hbm>>
      %dma_wait3A_36 = tpu.memref_slice %arg3[%add3A_18] : memref<16384xi32, #tpu.memory_space<hbm>> -> memref<128xi32, #tpu.memory_space<hbm>>
      tpu.wait_dma2 semaphore(%run_scoped3A : memref<!tpu.dma_semaphore, #tpu.memory_space<semaphore_mem>>) src(%dma_wait3A_36 : memref<128xi32, #tpu.memory_space<hbm>>) dst(%arg5 : memref<128xi32, #tpu.memory_space<vmem>>)
      tpu.yield
    }) : () -> ()
    %dma_start3A_19 = arith.constant 0 : i32
    %dma_start3A_20 = arith.constant 0 : i32
    %dma_start3A_21 = tpu.memref_slice %arg2[%dma_start3A_19, %dma_start3A_20] : memref<8192x256xf32, #tpu.memory_space<hbm>> -> memref<8192x256xf32, #tpu.memory_space<hbm>>
    tpu.enqueue_indirect_dma source(%dma_start3A_21 : memref<8192x256xf32, #tpu.memory_space<hbm>>) target(%arg6 : memref<128x256xf32, #tpu.memory_space<vmem>>) offsets(%arg5 : memref<128xi32, #tpu.memory_space<vmem>>) semaphore(%arg7 : memref<!tpu.dma_semaphore, #tpu.memory_space<semaphore_mem>>)
    %dma_wait3A_22 = arith.constant 0 : i32
    %dma_wait3A_23 = arith.constant 0 : i32
    %dma_wait3A_24 = tpu.memref_slice %arg2[%dma_wait3A_22, %dma_wait3A_23] : memref<8192x256xf32, #tpu.memory_space<hbm>> -> memref<8192x256xf32, #tpu.memory_space<hbm>>
    tpu.wait_indirect_dma semaphore(%arg7 : memref<!tpu.dma_semaphore, #tpu.memory_space<semaphore_mem>>) src(%dma_wait3A_24 : memref<8192x256xf32, #tpu.memory_space<hbm>>) dst(%arg6 : memref<128x256xf32, #tpu.memory_space<vmem>>)
    "tpu.region"() ({
      %run_scoped3A = tpu.sem_alloc : memref<!tpu.dma_semaphore, #tpu.memory_space<semaphore_mem>>
      %dma_start3A_33 = arith.constant 0 : i32
      %dma_start3A_34 = tpu.memref_slice %arg4[%add3A_18, %dma_start3A_33] : memref<16384x256xf32, #tpu.memory_space<hbm>> -> memref<128x256xf32, #tpu.memory_space<hbm>>
      %dma_start3A_35 = arith.constant 0 : i32
      %dma_start3A_36 = tpu.memref_slice %arg4[%add3A_18, %dma_start3A_35] : memref<16384x256xf32, #tpu.memory_space<hbm>> -> memref<128x256xf32, #tpu.memory_space<hbm>>
      tpu.enqueue_dma source(%arg6 : memref<128x256xf32, #tpu.memory_space<vmem>>) target(%dma_start3A_36 : memref<128x256xf32, #tpu.memory_space<hbm>>) target_semaphore(%run_scoped3A : memref<!tpu.dma_semaphore, #tpu.memory_space<semaphore_mem>>)
      %dma_wait3A_37 = arith.constant 0 : i32
      %dma_wait3A_38 = tpu.memref_slice %arg4[%add3A_18, %dma_wait3A_37] : memref<16384x256xf32, #tpu.memory_space<hbm>> -> memref<128x256xf32, #tpu.memory_space<hbm>>
      %dma_wait3A_39 = arith.constant 0 : i32
      %dma_wait3A_40 = tpu.memref_slice %arg4[%add3A_18, %dma_wait3A_39] : memref<16384x256xf32, #tpu.memory_space<hbm>> -> memref<128x256xf32, #tpu.memory_space<hbm>>
      tpu.wait_dma2 semaphore(%run_scoped3A : memref<!tpu.dma_semaphore, #tpu.memory_space<semaphore_mem>>) src(%arg6 : memref<128x256xf32, #tpu.memory_space<vmem>>) dst(%dma_wait3A_40 : memref<128x256xf32, #tpu.memory_space<hbm>>)
      tpu.yield
    }) : () -> ()
    %add3A_25 = arith.constant 384 : i32
    %add3A_26 = arith.addi %mul3A_2, %add3A_25 : i32
    "tpu.region"() ({
      %run_scoped3A = tpu.sem_alloc : memref<!tpu.dma_semaphore, #tpu.memory_space<semaphore_mem>>
      %dma_start3A_33 = tpu.memref_slice %arg3[%add3A_26] : memref<16384xi32, #tpu.memory_space<hbm>> -> memref<128xi32, #tpu.memory_space<hbm>>
      %dma_start3A_34 = tpu.memref_slice %arg3[%add3A_26] : memref<16384xi32, #tpu.memory_space<hbm>> -> memref<128xi32, #tpu.memory_space<hbm>>
      tpu.enqueue_dma source(%dma_start3A_34 : memref<128xi32, #tpu.memory_space<hbm>>) target(%arg5 : memref<128xi32, #tpu.memory_space<vmem>>) target_semaphore(%run_scoped3A : memref<!tpu.dma_semaphore, #tpu.memory_space<semaphore_mem>>)
      %dma_wait3A_35 = tpu.memref_slice %arg3[%add3A_26] : memref<16384xi32, #tpu.memory_space<hbm>> -> memref<128xi32, #tpu.memory_space<hbm>>
      %dma_wait3A_36 = tpu.memref_slice %arg3[%add3A_26] : memref<16384xi32, #tpu.memory_space<hbm>> -> memref<128xi32, #tpu.memory_space<hbm>>
      tpu.wait_dma2 semaphore(%run_scoped3A : memref<!tpu.dma_semaphore, #tpu.memory_space<semaphore_mem>>) src(%dma_wait3A_36 : memref<128xi32, #tpu.memory_space<hbm>>) dst(%arg5 : memref<128xi32, #tpu.memory_space<vmem>>)
      tpu.yield
    }) : () -> ()
    %dma_start3A_27 = arith.constant 0 : i32
    %dma_start3A_28 = arith.constant 0 : i32
    %dma_start3A_29 = tpu.memref_slice %arg2[%dma_start3A_27, %dma_start3A_28] : memref<8192x256xf32, #tpu.memory_space<hbm>> -> memref<8192x256xf32, #tpu.memory_space<hbm>>
    tpu.enqueue_indirect_dma source(%dma_start3A_29 : memref<8192x256xf32, #tpu.memory_space<hbm>>) target(%arg6 : memref<128x256xf32, #tpu.memory_space<vmem>>) offsets(%arg5 : memref<128xi32, #tpu.memory_space<vmem>>) semaphore(%arg7 : memref<!tpu.dma_semaphore, #tpu.memory_space<semaphore_mem>>)
    %dma_wait3A_30 = arith.constant 0 : i32
    %dma_wait3A_31 = arith.constant 0 : i32
    %dma_wait3A_32 = tpu.memref_slice %arg2[%dma_wait3A_30, %dma_wait3A_31] : memref<8192x256xf32, #tpu.memory_space<hbm>> -> memref<8192x256xf32, #tpu.memory_space<hbm>>
    tpu.wait_indirect_dma semaphore(%arg7 : memref<!tpu.dma_semaphore, #tpu.memory_space<semaphore_mem>>) src(%dma_wait3A_32 : memref<8192x256xf32, #tpu.memory_space<hbm>>) dst(%arg6 : memref<128x256xf32, #tpu.memory_space<vmem>>)
    "tpu.region"() ({
      %run_scoped3A = tpu.sem_alloc : memref<!tpu.dma_semaphore, #tpu.memory_space<semaphore_mem>>
      %dma_start3A_33 = arith.constant 0 : i32
      %dma_start3A_34 = tpu.memref_slice %arg4[%add3A_26, %dma_start3A_33] : memref<16384x256xf32, #tpu.memory_space<hbm>> -> memref<128x256xf32, #tpu.memory_space<hbm>>
      %dma_start3A_35 = arith.constant 0 : i32
      %dma_start3A_36 = tpu.memref_slice %arg4[%add3A_26, %dma_start3A_35] : memref<16384x256xf32, #tpu.memory_space<hbm>> -> memref<128x256xf32, #tpu.memory_space<hbm>>
      tpu.enqueue_dma source(%arg6 : memref<128x256xf32, #tpu.memory_space<vmem>>) target(%dma_start3A_36 : memref<128x256xf32, #tpu.memory_space<hbm>>) target_semaphore(%run_scoped3A : memref<!tpu.dma_semaphore, #tpu.memory_space<semaphore_mem>>)
      %dma_wait3A_37 = arith.constant 0 : i32
      %dma_wait3A_38 = tpu.memref_slice %arg4[%add3A_26, %dma_wait3A_37] : memref<16384x256xf32, #tpu.memory_space<hbm>> -> memref<128x256xf32, #tpu.memory_space<hbm>>
      %dma_wait3A_39 = arith.constant 0 : i32
      %dma_wait3A_40 = tpu.memref_slice %arg4[%add3A_26, %dma_wait3A_39] : memref<16384x256xf32, #tpu.memory_space<hbm>> -> memref<128x256xf32, #tpu.memory_space<hbm>>
      tpu.wait_dma2 semaphore(%run_scoped3A : memref<!tpu.dma_semaphore, #tpu.memory_space<semaphore_mem>>) src(%arg6 : memref<128x256xf32, #tpu.memory_space<vmem>>) dst(%dma_wait3A_40 : memref<128x256xf32, #tpu.memory_space<hbm>>)
      tpu.yield
    }) : () -> ()
    return
  }
}

module attributes {stable_mosaic.version = 14 : i64} {
  func.func @_dist_argmin_body(%arg0: i32, %arg1: memref<1024x256xbf16, #tpu.memory_space<vmem>>, %arg2: memref<8192x256xbf16, #tpu.memory_space<vmem>>, %arg3: memref<1024x1xf32, #tpu.memory_space<vmem>>, %arg4: memref<1x8192xf32, #tpu.memory_space<vmem>>, %arg5: memref<1024x1xi32, #tpu.memory_space<vmem>>) attributes {dimension_semantics = [#tpu.dimension_semantics<arbitrary>], iteration_bounds = array<i64: 16>, scalar_prefetch = 0 : i64, scratch_operands = 0 : i64, tpu.core_type = #tpu.core_type<tc>, window_params = [{transform_indices = @transform_0, window_bounds = array<i64: 1024, 256>}, {pipeline_mode = #tpu.pipeline_mode<synchronous>, transform_indices = @transform_1, window_bounds = array<i64: 8192, 256>}, {transform_indices = @transform_2, window_bounds = array<i64: 1024, 1>}, {pipeline_mode = #tpu.pipeline_mode<synchronous>, transform_indices = @transform_3, window_bounds = array<i64: 1, 8192>}, {transform_indices = @transform_4, window_bounds = array<i64: 1024, 1>}]} {
    %get3A = arith.constant 0 : index
    %get3A_0 = arith.constant 0 : index
    %get3A_1 = vector.load %arg1[%get3A, %get3A_0] : memref<1024x256xbf16, #tpu.memory_space<vmem>>, vector<1024x256xbf16>
    %get3A_2 = arith.constant 0 : index
    %get3A_3 = arith.constant 0 : index
    %get3A_4 = vector.load %arg3[%get3A_2, %get3A_3] : memref<1024x1xf32, #tpu.memory_space<vmem>>, vector<1024x1xf32>
    %broadcast_in_dim3A = arith.constant 0x7F800000 : f32
    %broadcast_in_dim3A_5 = vector.broadcast %broadcast_in_dim3A : f32 to vector<1024xf32>
    %broadcast_in_dim3A_6 = arith.constant 0 : i32
    %broadcast_in_dim3A_7 = vector.broadcast %broadcast_in_dim3A_6 : i32 to vector<1024xi32>
    %get3A_8 = arith.constant 0 : index
    %get3A_9 = arith.constant 0 : index
    %get3A_10 = vector.load %arg2[%get3A_8, %get3A_9] : memref<8192x256xbf16, #tpu.memory_space<vmem>>, vector<2048x256xbf16>
    %dot_general3A = arith.constant dense<0.000000e+00> : vector<1024x2048xf32>
    %dot_general3A_11 = tpu.matmul %get3A_1, %get3A_10, %dot_general3A {dimension_numbers = #tpu.dot_dimension_numbers<[1], [1], [0], [0], [0, 0, 1, 0], [], []>, transpose_lhs_hint = false} : vector<1024x256xbf16>, vector<2048x256xbf16>, vector<1024x2048xf32> -> vector<1024x2048xf32>
    %sub3A = vector.broadcast %get3A_4 : vector<1024x1xf32> to vector<1024x2048xf32>
    %sub3A_12 = arith.subf %sub3A, %dot_general3A_11 : vector<1024x2048xf32>
    %get3A_13 = arith.constant 0 : index
    %get3A_14 = arith.constant 0 : index
    %get3A_15 = vector.load %arg4[%get3A_13, %get3A_14] : memref<1x8192xf32, #tpu.memory_space<vmem>>, vector<1x2048xf32>
    %add3A = vector.broadcast %get3A_15 : vector<1x2048xf32> to vector<1024x2048xf32>
    %add3A_16 = arith.addf %sub3A_12, %add3A : vector<1024x2048xf32>
    %reduce_min3A = arith.constant dense<0x7F800000> : vector<1024xf32>
    %reduce_min3A_17 = vector.multi_reduction <minimumf>, %add3A_16, %reduce_min3A [1] : vector<1024x2048xf32> to vector<1024xf32>
    %iota3A = tpu.iota {dimensions = array<i32: 1>} : vector<1024x2048xi32>
    %add3A_18 = arith.constant 0 : i32
    %add3A_19 = vector.broadcast %add3A_18 : i32 to vector<1024x2048xi32>
    %add3A_20 = arith.addi %iota3A, %add3A_19 : vector<1024x2048xi32>
    %broadcast_in_dim3A_21 = vector.shape_cast %reduce_min3A_17 : vector<1024xf32> to vector<1024x1xf32>
    %eq3A = vector.broadcast %broadcast_in_dim3A_21 : vector<1024x1xf32> to vector<1024x2048xf32>
    %eq3A_22 = arith.cmpf oeq, %add3A_16, %eq3A : vector<1024x2048xf32>
    %jit3A = arith.constant 8192 : i32
    %broadcast_in_dim3A_23 = vector.broadcast %jit3A : i32 to vector<1024x2048xi32>
    %select_n3A = arith.select %eq3A_22, %add3A_20, %broadcast_in_dim3A_23 : vector<1024x2048xi1>, vector<1024x2048xi32>
    %reduce_min3A_24 = arith.constant dense<2147483647> : vector<1024xi32>
    %reduce_min3A_25 = vector.multi_reduction <minsi>, %select_n3A, %reduce_min3A_24 [1] : vector<1024x2048xi32> to vector<1024xi32>
    %lt3A = arith.cmpf olt, %reduce_min3A_17, %broadcast_in_dim3A_5 : vector<1024xf32>
    %select_n3A_26 = arith.select %lt3A, %reduce_min3A_25, %broadcast_in_dim3A_7 : vector<1024xi1>, vector<1024xi32>
    %select_n3A_27 = arith.select %lt3A, %reduce_min3A_17, %broadcast_in_dim3A_5 : vector<1024xi1>, vector<1024xf32>
    %get3A_28 = arith.constant 2048 : index
    %get3A_29 = arith.constant 0 : index
    %get3A_30 = vector.load %arg2[%get3A_28, %get3A_29] : memref<8192x256xbf16, #tpu.memory_space<vmem>>, vector<2048x256xbf16>
    %dot_general3A_31 = arith.constant dense<0.000000e+00> : vector<1024x2048xf32>
    %dot_general3A_32 = tpu.matmul %get3A_1, %get3A_30, %dot_general3A_31 {dimension_numbers = #tpu.dot_dimension_numbers<[1], [1], [0], [0], [0, 0, 1, 0], [], []>, transpose_lhs_hint = false} : vector<1024x256xbf16>, vector<2048x256xbf16>, vector<1024x2048xf32> -> vector<1024x2048xf32>
    %sub3A_33 = vector.broadcast %get3A_4 : vector<1024x1xf32> to vector<1024x2048xf32>
    %sub3A_34 = arith.subf %sub3A_33, %dot_general3A_32 : vector<1024x2048xf32>
    %get3A_35 = arith.constant 0 : index
    %get3A_36 = arith.constant 2048 : index
    %get3A_37 = vector.load %arg4[%get3A_35, %get3A_36] : memref<1x8192xf32, #tpu.memory_space<vmem>>, vector<1x2048xf32>
    %add3A_38 = vector.broadcast %get3A_37 : vector<1x2048xf32> to vector<1024x2048xf32>
    %add3A_39 = arith.addf %sub3A_34, %add3A_38 : vector<1024x2048xf32>
    %reduce_min3A_40 = arith.constant dense<0x7F800000> : vector<1024xf32>
    %reduce_min3A_41 = vector.multi_reduction <minimumf>, %add3A_39, %reduce_min3A_40 [1] : vector<1024x2048xf32> to vector<1024xf32>
    %iota3A_42 = tpu.iota {dimensions = array<i32: 1>} : vector<1024x2048xi32>
    %add3A_43 = arith.constant 2048 : i32
    %add3A_44 = vector.broadcast %add3A_43 : i32 to vector<1024x2048xi32>
    %add3A_45 = arith.addi %iota3A_42, %add3A_44 : vector<1024x2048xi32>
    %broadcast_in_dim3A_46 = vector.shape_cast %reduce_min3A_41 : vector<1024xf32> to vector<1024x1xf32>
    %eq3A_47 = vector.broadcast %broadcast_in_dim3A_46 : vector<1024x1xf32> to vector<1024x2048xf32>
    %eq3A_48 = arith.cmpf oeq, %add3A_39, %eq3A_47 : vector<1024x2048xf32>
    %jit3A_49 = arith.constant 8192 : i32
    %broadcast_in_dim3A_50 = vector.broadcast %jit3A_49 : i32 to vector<1024x2048xi32>
    %select_n3A_51 = arith.select %eq3A_48, %add3A_45, %broadcast_in_dim3A_50 : vector<1024x2048xi1>, vector<1024x2048xi32>
    %reduce_min3A_52 = arith.constant dense<2147483647> : vector<1024xi32>
    %reduce_min3A_53 = vector.multi_reduction <minsi>, %select_n3A_51, %reduce_min3A_52 [1] : vector<1024x2048xi32> to vector<1024xi32>
    %lt3A_54 = arith.cmpf olt, %reduce_min3A_41, %select_n3A_27 : vector<1024xf32>
    %select_n3A_55 = arith.select %lt3A_54, %reduce_min3A_53, %select_n3A_26 : vector<1024xi1>, vector<1024xi32>
    %select_n3A_56 = arith.select %lt3A_54, %reduce_min3A_41, %select_n3A_27 : vector<1024xi1>, vector<1024xf32>
    %broadcast_in_dim3A_57 = arith.constant 0x7F800000 : f32
    %broadcast_in_dim3A_58 = vector.broadcast %broadcast_in_dim3A_57 : f32 to vector<1024xf32>
    %broadcast_in_dim3A_59 = arith.constant 0 : i32
    %broadcast_in_dim3A_60 = vector.broadcast %broadcast_in_dim3A_59 : i32 to vector<1024xi32>
    %get3A_61 = arith.constant 4096 : index
    %get3A_62 = arith.constant 0 : index
    %get3A_63 = vector.load %arg2[%get3A_61, %get3A_62] : memref<8192x256xbf16, #tpu.memory_space<vmem>>, vector<2048x256xbf16>
    %dot_general3A_64 = arith.constant dense<0.000000e+00> : vector<1024x2048xf32>
    %dot_general3A_65 = tpu.matmul %get3A_1, %get3A_63, %dot_general3A_64 {dimension_numbers = #tpu.dot_dimension_numbers<[1], [1], [0], [0], [0, 0, 1, 0], [], []>, transpose_lhs_hint = false} : vector<1024x256xbf16>, vector<2048x256xbf16>, vector<1024x2048xf32> -> vector<1024x2048xf32>
    %sub3A_66 = vector.broadcast %get3A_4 : vector<1024x1xf32> to vector<1024x2048xf32>
    %sub3A_67 = arith.subf %sub3A_66, %dot_general3A_65 : vector<1024x2048xf32>
    %get3A_68 = arith.constant 0 : index
    %get3A_69 = arith.constant 4096 : index
    %get3A_70 = vector.load %arg4[%get3A_68, %get3A_69] : memref<1x8192xf32, #tpu.memory_space<vmem>>, vector<1x2048xf32>
    %add3A_71 = vector.broadcast %get3A_70 : vector<1x2048xf32> to vector<1024x2048xf32>
    %add3A_72 = arith.addf %sub3A_67, %add3A_71 : vector<1024x2048xf32>
    %reduce_min3A_73 = arith.constant dense<0x7F800000> : vector<1024xf32>
    %reduce_min3A_74 = vector.multi_reduction <minimumf>, %add3A_72, %reduce_min3A_73 [1] : vector<1024x2048xf32> to vector<1024xf32>
    %iota3A_75 = tpu.iota {dimensions = array<i32: 1>} : vector<1024x2048xi32>
    %add3A_76 = arith.constant 4096 : i32
    %add3A_77 = vector.broadcast %add3A_76 : i32 to vector<1024x2048xi32>
    %add3A_78 = arith.addi %iota3A_75, %add3A_77 : vector<1024x2048xi32>
    %broadcast_in_dim3A_79 = vector.shape_cast %reduce_min3A_74 : vector<1024xf32> to vector<1024x1xf32>
    %eq3A_80 = vector.broadcast %broadcast_in_dim3A_79 : vector<1024x1xf32> to vector<1024x2048xf32>
    %eq3A_81 = arith.cmpf oeq, %add3A_72, %eq3A_80 : vector<1024x2048xf32>
    %jit3A_82 = arith.constant 8192 : i32
    %broadcast_in_dim3A_83 = vector.broadcast %jit3A_82 : i32 to vector<1024x2048xi32>
    %select_n3A_84 = arith.select %eq3A_81, %add3A_78, %broadcast_in_dim3A_83 : vector<1024x2048xi1>, vector<1024x2048xi32>
    %reduce_min3A_85 = arith.constant dense<2147483647> : vector<1024xi32>
    %reduce_min3A_86 = vector.multi_reduction <minsi>, %select_n3A_84, %reduce_min3A_85 [1] : vector<1024x2048xi32> to vector<1024xi32>
    %lt3A_87 = arith.cmpf olt, %reduce_min3A_74, %broadcast_in_dim3A_58 : vector<1024xf32>
    %select_n3A_88 = arith.select %lt3A_87, %reduce_min3A_86, %broadcast_in_dim3A_60 : vector<1024xi1>, vector<1024xi32>
    %select_n3A_89 = arith.select %lt3A_87, %reduce_min3A_74, %broadcast_in_dim3A_58 : vector<1024xi1>, vector<1024xf32>
    %get3A_90 = arith.constant 6144 : index
    %get3A_91 = arith.constant 0 : index
    %get3A_92 = vector.load %arg2[%get3A_90, %get3A_91] : memref<8192x256xbf16, #tpu.memory_space<vmem>>, vector<2048x256xbf16>
    %dot_general3A_93 = arith.constant dense<0.000000e+00> : vector<1024x2048xf32>
    %dot_general3A_94 = tpu.matmul %get3A_1, %get3A_92, %dot_general3A_93 {dimension_numbers = #tpu.dot_dimension_numbers<[1], [1], [0], [0], [0, 0, 1, 0], [], []>, transpose_lhs_hint = false} : vector<1024x256xbf16>, vector<2048x256xbf16>, vector<1024x2048xf32> -> vector<1024x2048xf32>
    %sub3A_95 = vector.broadcast %get3A_4 : vector<1024x1xf32> to vector<1024x2048xf32>
    %sub3A_96 = arith.subf %sub3A_95, %dot_general3A_94 : vector<1024x2048xf32>
    %get3A_97 = arith.constant 0 : index
    %get3A_98 = arith.constant 6144 : index
    %get3A_99 = vector.load %arg4[%get3A_97, %get3A_98] : memref<1x8192xf32, #tpu.memory_space<vmem>>, vector<1x2048xf32>
    %add3A_100 = vector.broadcast %get3A_99 : vector<1x2048xf32> to vector<1024x2048xf32>
    %add3A_101 = arith.addf %sub3A_96, %add3A_100 : vector<1024x2048xf32>
    %reduce_min3A_102 = arith.constant dense<0x7F800000> : vector<1024xf32>
    %reduce_min3A_103 = vector.multi_reduction <minimumf>, %add3A_101, %reduce_min3A_102 [1] : vector<1024x2048xf32> to vector<1024xf32>
    %iota3A_104 = tpu.iota {dimensions = array<i32: 1>} : vector<1024x2048xi32>
    %add3A_105 = arith.constant 6144 : i32
    %add3A_106 = vector.broadcast %add3A_105 : i32 to vector<1024x2048xi32>
    %add3A_107 = arith.addi %iota3A_104, %add3A_106 : vector<1024x2048xi32>
    %broadcast_in_dim3A_108 = vector.shape_cast %reduce_min3A_103 : vector<1024xf32> to vector<1024x1xf32>
    %eq3A_109 = vector.broadcast %broadcast_in_dim3A_108 : vector<1024x1xf32> to vector<1024x2048xf32>
    %eq3A_110 = arith.cmpf oeq, %add3A_101, %eq3A_109 : vector<1024x2048xf32>
    %jit3A_111 = arith.constant 8192 : i32
    %broadcast_in_dim3A_112 = vector.broadcast %jit3A_111 : i32 to vector<1024x2048xi32>
    %select_n3A_113 = arith.select %eq3A_110, %add3A_107, %broadcast_in_dim3A_112 : vector<1024x2048xi1>, vector<1024x2048xi32>
    %reduce_min3A_114 = arith.constant dense<2147483647> : vector<1024xi32>
    %reduce_min3A_115 = vector.multi_reduction <minsi>, %select_n3A_113, %reduce_min3A_114 [1] : vector<1024x2048xi32> to vector<1024xi32>
    %lt3A_116 = arith.cmpf olt, %reduce_min3A_103, %select_n3A_89 : vector<1024xf32>
    %select_n3A_117 = arith.select %lt3A_116, %reduce_min3A_115, %select_n3A_88 : vector<1024xi1>, vector<1024xi32>
    %select_n3A_118 = arith.select %lt3A_116, %reduce_min3A_103, %select_n3A_89 : vector<1024xi1>, vector<1024xf32>
    %convert_element_type3A = arith.truncf %select_n3A_56 : vector<1024xf32> to vector<1024xbf16>
    %convert_element_type3A_119 = arith.extf %convert_element_type3A : vector<1024xbf16> to vector<1024xf32>
    %lt3A_120 = arith.cmpf olt, %select_n3A_118, %convert_element_type3A_119 : vector<1024xf32>
    %select_n3A_121 = arith.select %lt3A_120, %select_n3A_117, %select_n3A_55 : vector<1024xi1>, vector<1024xi32>
    %broadcast_in_dim3A_122 = vector.shape_cast %select_n3A_121 : vector<1024xi32> to vector<1024x1xi32>
    %swap3A = arith.constant 0 : index
    %swap3A_123 = arith.constant 0 : index
    %swap3A_124 = vector.load %arg5[%swap3A, %swap3A_123] : memref<1024x1xi32, #tpu.memory_space<vmem>>, vector<1024x1xi32>
    tpu.vector_store %arg5[%swap3A, %swap3A_123], %broadcast_in_dim3A_122 {strides = array<i32>} : memref<1024x1xi32, #tpu.memory_space<vmem>>, vector<1024x1xi32>,
    return
  }
  func.func @transform_0(%arg0: i32) -> (i32, i32) {
    %c0_i32 = arith.constant 0 : i32
    %c0_i32_0 = arith.constant 0 : i32
    return %arg0, %c0_i32 : i32, i32
  }
  func.func @transform_1(%arg0: i32) -> (i32, i32) {
    %c0_i32 = arith.constant 0 : i32
    %c0_i32_0 = arith.constant 0 : i32
    %c0_i32_1 = arith.constant 0 : i32
    return %c0_i32, %c0_i32_0 : i32, i32
  }
  func.func @transform_2(%arg0: i32) -> (i32, i32) {
    %c0_i32 = arith.constant 0 : i32
    %c0_i32_0 = arith.constant 0 : i32
    return %arg0, %c0_i32 : i32, i32
  }
  func.func @transform_3(%arg0: i32) -> (i32, i32) {
    %c0_i32 = arith.constant 0 : i32
    %c0_i32_0 = arith.constant 0 : i32
    %c0_i32_1 = arith.constant 0 : i32
    return %c0_i32, %c0_i32_0 : i32, i32
  }
  func.func @transform_4(%arg0: i32) -> (i32, i32) {
    %c0_i32 = arith.constant 0 : i32
    %c0_i32_0 = arith.constant 0 : i32
    return %arg0, %c0_i32 : i32, i32
  }
}

module attributes {stable_mosaic.version = 14 : i64} {
  func.func @_st_loss_body(%arg0: i32, %arg1: memref<1024x256xf32, #tpu.memory_space<vmem>>, %arg2: memref<1024x256xf32, #tpu.memory_space<vmem>>, %arg3: memref<1024x256xf32, #tpu.memory_space<vmem>>, %arg4: memref<1x1x1xf32, #tpu.memory_space<vmem>>) attributes {dimension_semantics = [#tpu.dimension_semantics<arbitrary>], iteration_bounds = array<i64: 16>, scalar_prefetch = 0 : i64, scratch_operands = 0 : i64, tpu.core_type = #tpu.core_type<tc>, window_params = [{transform_indices = @transform_0, window_bounds = array<i64: 1024, 256>}, {transform_indices = @transform_1, window_bounds = array<i64: 1024, 256>}, {transform_indices = @transform_2, window_bounds = array<i64: 1024, 256>}, {transform_indices = @transform_3, window_bounds = array<i64: 1, 1, 1>}]} {
    %get3A = arith.constant 0 : index
    %get3A_0 = arith.constant 0 : index
    %get3A_1 = vector.load %arg1[%get3A, %get3A_0] : memref<1024x256xf32, #tpu.memory_space<vmem>>, vector<1024x256xf32>
    %get3A_2 = arith.constant 0 : index
    %get3A_3 = arith.constant 0 : index
    %get3A_4 = vector.load %arg2[%get3A_2, %get3A_3] : memref<1024x256xf32, #tpu.memory_space<vmem>>, vector<1024x256xf32>
    %sub3A = arith.subf %get3A_4, %get3A_1 : vector<1024x256xf32>
    %add3A = arith.addf %get3A_1, %sub3A : vector<1024x256xf32>
    %swap3A = arith.constant 0 : index
    %swap3A_5 = arith.constant 0 : index
    %swap3A_6 = vector.load %arg3[%swap3A, %swap3A_5] : memref<1024x256xf32, #tpu.memory_space<vmem>>, vector<1024x256xf32>
    tpu.vector_store %arg3[%swap3A, %swap3A_5], %add3A {strides = array<i32>} : memref<1024x256xf32, #tpu.memory_space<vmem>>, vector<1024x256xf32>,
    %mul3A = arith.mulf %sub3A, %sub3A : vector<1024x256xf32>
    %reduce_sum3A = vector.shape_cast %mul3A : vector<1024x256xf32> to vector<1x1024x256xf32>
    %reduce_sum3A_7 = arith.constant dense<0.000000e+00> : vector<1xf32>
    %reduce_sum3A_8 = vector.multi_reduction <add>, %reduce_sum3A, %reduce_sum3A_7 [1, 2] : vector<1x1024x256xf32> to vector<1xf32>
    %reduce_sum3A_9 = vector.shape_cast %reduce_sum3A_8 : vector<1xf32> to vector<1x1x1xf32>
    %reduce_sum3A_10 = vector.extract %reduce_sum3A_9[0, 0, 0] : f32 from vector<1x1x1xf32>
    %reshape3A = vector.broadcast %reduce_sum3A_10 : f32 to vector<1x1x1xf32>
    %swap3A_11 = arith.constant 0 : index
    %swap3A_12 = arith.constant 0 : index
    %swap3A_13 = arith.constant 0 : index
    %swap3A_14 = vector.load %arg4[%swap3A_11, %swap3A_12, %swap3A_13] : memref<1x1x1xf32, #tpu.memory_space<vmem>>, vector<1x1x1xf32>
    tpu.vector_store %arg4[%swap3A_11, %swap3A_12, %swap3A_13], %reshape3A {strides = array<i32>} : memref<1x1x1xf32, #tpu.memory_space<vmem>>, vector<1x1x1xf32>,
    return
  }
  func.func @transform_0(%arg0: i32) -> (i32, i32) {
    %c0_i32 = arith.constant 0 : i32
    %c0_i32_0 = arith.constant 0 : i32
    return %arg0, %c0_i32 : i32, i32
  }
  func.func @transform_1(%arg0: i32) -> (i32, i32) {
    %c0_i32 = arith.constant 0 : i32
    %c0_i32_0 = arith.constant 0 : i32
    return %arg0, %c0_i32 : i32, i32
  }
  func.func @transform_2(%arg0: i32) -> (i32, i32) {
    %c0_i32 = arith.constant 0 : i32
    %c0_i32_0 = arith.constant 0 : i32
    return %arg0, %c0_i32 : i32, i32
  }
  func.func @transform_3(%arg0: i32) -> (i32, i32, i32) {
    %c0_i32 = arith.constant 0 : i32
    %c0_i32_0 = arith.constant 0 : i32
    %c0_i32_1 = arith.constant 0 : i32
    return %arg0, %c0_i32, %c0_i32_0 : i32, i32, i32
  }
}

module attributes {stable_mosaic.version = 14 : i64} {
  func.func @_loss_combine_body(%arg0: memref<16x1x1xf32, #tpu.memory_space<vmem>>, %arg1: memref<1x1xf32, #tpu.memory_space<vmem>>) attributes {dimension_semantics = [], scalar_prefetch = 0 : i64, scratch_operands = 0 : i64, tpu.core_type = #tpu.core_type<tc>} {
    %get3A = arith.constant 0 : index
    %get3A_0 = arith.constant 0 : index
    %get3A_1 = arith.constant 0 : index
    %get3A_2 = vector.load %arg0[%get3A, %get3A_0, %get3A_1] : memref<16x1x1xf32, #tpu.memory_space<vmem>>, vector<16x1x1xf32>
    %reduce_sum3A = vector.shape_cast %get3A_2 : vector<16x1x1xf32> to vector<1x16x1x1xf32>
    %reduce_sum3A_3 = arith.constant dense<0.000000e+00> : vector<1xf32>
    %reduce_sum3A_4 = vector.multi_reduction <add>, %reduce_sum3A, %reduce_sum3A_3 [1, 2, 3] : vector<1x16x1x1xf32> to vector<1xf32>
    %reduce_sum3A_5 = vector.shape_cast %reduce_sum3A_4 : vector<1xf32> to vector<1x1x1x1xf32>
    %reduce_sum3A_6 = vector.extract %reduce_sum3A_5[0, 0, 0, 0] : f32 from vector<1x1x1x1xf32>
    %mul3A = arith.constant 2.38418579E-7 : f32
    %mul3A_7 = arith.mulf %reduce_sum3A_6, %mul3A : f32
    %mul3A_8 = arith.constant 2.500000e-01 : f32
    %mul3A_9 = arith.mulf %mul3A_8, %mul3A_7 : f32
    %add3A = arith.addf %mul3A_9, %mul3A_7 : f32
    %reshape3A = vector.broadcast %add3A : f32 to vector<1x1xf32>
    %swap3A = arith.constant 0 : index
    %swap3A_10 = arith.constant 0 : index
    %swap3A_11 = vector.load %arg1[%swap3A, %swap3A_10] : memref<1x1xf32, #tpu.memory_space<vmem>>, vector<1x1xf32>
    tpu.vector_store %arg1[%swap3A, %swap3A_10], %reshape3A {strides = array<i32>} : memref<1x1xf32, #tpu.memory_space<vmem>>, vector<1x1xf32>,
    return
  }
}

</mosaic_0001>

<sc_bundles>
// kernel: kernel.6.cloned.1.call-start
scs
__scs_entry_jumppad:
0x0: {  	(pc) =	sbr.rel $0x88, $3  }
0x1: {  	(tag) =	ssettag $0x0;
	lr =	simm.s32 $0x1  }
0x2: {  	[smem:$0x3F9F] =	sst lr;
	_ =	strace $0xD0000000  }
0x3: {  	_ = 	snop  }
0x4: {  	_ = 	snop  }
0x5: {  	_ = 	snop  }
0x6: {  	_ = 	snop  }
0x7: {  	_ = 	snop  }
__scs_overlays_trampoline_lowered:
0x8: {  	[smem:$0x3FAE] =	sst s0  }
0x9: {  	[smem:$0x3FAF] =	sst s1  }
0xa: {  	[smem:$0x3FB0] =	sst s2  }
0xb: {  	[smem:$0x3FB1] =	sst s3  }
0xc: {  	[smem:$0x3FB2] =	sst s4  }
0xd: {  	[smem:$0x3FB3] =	sst s5  }
0xe: {  	[smem:$0x3FB4] =	sst s6  }
0xf: {  	[smem:$0x3FB5] =	sst s7  }
0x10: {  	[smem:$0x3FB6] =	sst s8  }
0x11: {  	[smem:$0x3FB7] =	sst s9;
	s0 =	simm.s32 @!p0 $0x0  }
0x12: {  	s1 =	sld [smem:$0x3F9D];
	s0 =	simm.s32 @p0 $0x1  }
0x13: {  	[smem:$0x3FB8] =	sst s0;
	s0 =	simm.s32 @!p1 $0x0  }
0x14: {  	s2 =	sld [smem:$0x3F9C];
	s0 =	simm.s32 @p1 $0x1  }
0x15: {  	[smem:$0x3FB9] =	sst s0;
	s0 =	simm.s32 @!p2 $0x0  }
0x16: {  	s3 =	sld [smem:$0x3FDB];
	s0 =	simm.s32 @p2 $0x1  }
0x17: {  	s4 =	simm.s32 $0x1BF5;
	[smem:$0x3FBB] =	sst s0  }
0x18: {  	s0 =	sld [smem:$0x3F9E];
	_ =	swait.ge [sflag:s4], $0x0  }
0x19: {  	s7 =	sld [smem:$0x3F9F]  }
0x1a: {  	s8 =	sadd.s32 $0xFFFFE003, lr  }
0x1b: {  	s9 =	sadd.s32 $0xFFFFFEF7, lr;
	s5 =	simm.s32 $0xFFFFFFFF;
	p2 =	slt.u32 s8, $0xFFFFF086  }
0x1c: {  	p1 =	slt.u32 s9, $0xF7A;
	s5 =	simm.s32 @!p2 $0x0  }
0x1d: {  	s5 =	simm.s32 @p1 $0x1;
	p0 =	seq.s32 s7, s2  }
0x1e: {  	s7 =	smul.u32 @!p0 $0xF7A, s2;
	p2 =	seq.s32 @!p0 s5, $0x0  }
0x1f: {  	s9 =	smul.u32 $0xF7A, s1;
	s8 =	simm.s32 @!p0 $0x1BF5;
	p2 =	por !p2, p0  }
0x20: {  	[sflag:s8] =	ssyncset.s32 @!p0 $0xFFFFF086;
	s6 =	sadd.s32 @!p0 s3, s7;
	s7 =	simm.s32 @!p0 $0x108  }
0x21: {  	s3 =	sadd.s32 s3, s9;
	s6 =	sadd.s32 @!p0 $0x88, s6;
	s7 =	simm.s32 @p2 $0x1082  }
0x22: {  	[simem:s7], [sflag:s8] =	dma.local @!p0 [hbm:s6], $0xF7A  }
0x23: {  	s9 =	sor.u32 $0xD0000000, s2;
	s6 =	simm.s32 $0x108;
	_ =	swait.ge @!p0 [sflag:s8], $0x0  }
0x24: {  	s3 =	sadd.s32 $0x88, s3;
	s6 =	simm.s32 @!p1 $0x1082;
	[sflag:s4] =	ssyncset.s32 $0xFFFFF086  }
0x25: {  	[simem:s6], [sflag:s4] =	dma.local [hbm:s3], $0xF7A  }
0x26: {  	[smem:$0x3F9F] =	sst s1;
	(tag) =	ssettag s2;
	_ =	strace s9  }
0x27: {  	s1 =	sld [smem:$0x3FAF]  }
0x28: {  	s2 =	sld [smem:$0x3FB0]  }
0x29: {  	s4 =	sld [smem:$0x3FB2]  }
0x2a: {  	p0 =	seq.s32 s5, $0x0;
	s5 =	sld [smem:$0x3FB3]  }
0x2b: {  	s6 =	sld [smem:$0x3FB4]  }
0x2c: {  	s7 =	sld [smem:$0x3FB5]  }
0x2d: {  	s3 =	simm.s32 $0x108;
	s8 =	sld [smem:$0x3FB6]  }
0x2e: {  	s3 =	simm.s32 @!p0 $0x1082;
	s9 =	sld [smem:$0x3FB7]  }
0x2f: {  	lr =	sadd.s32 s0, s3;
	s0 =	sld [smem:$0x3FAE]  }
0x30: {  	s3 =	sld [smem:$0x3FB1]  }
0x31: {  	[smem:$0x3FBA] =	sst s10  }
0x32: {  	s10 =	sld [smem:$0x3FB8];
	_ =	sdelay $0x3  }
0x33: {  	p0 =	seq.s32 s10, $0x1;
	s10 =	sld [smem:$0x3FBA];
	_ =	sdelay $0x3  }
0x34: {  	[smem:$0x3FBA] =	sst s10  }
0x35: {  	s10 =	sld [smem:$0x3FB9];
	_ =	sdelay $0x3  }
0x36: {  	p1 =	seq.s32 s10, $0x1;
	s10 =	sld [smem:$0x3FBA];
	_ =	sdelay $0x3  }
0x37: {  	[smem:$0x3FBA] =	sst s10  }
0x38: {  	s10 =	sld [smem:$0x3FBB]  }
0x39: {  	_ = 	snop;
	(pc) =	sbr.ind lr, $3  }
0x3a: {  	_ = 	snop  }
0x3b: {  	_ = 	snop  }
0x3c: {  	p2 =	seq.s32 s10, $0x1;
	s10 =	sld [smem:$0x3FBA]  }
0x3d: {  	_ =	shalt  }
0x3e: {  	_ =	shalt  }
0x3f: {  	_ =	shalt  }
0x40: {  	_ =	shalt  }
0x41: {  	_ =	shalt  }
0x42: {  	_ =	shalt  }
0x43: {  	_ =	shalt  }
0x44: {  	_ =	shalt  }
0x45: {  	_ =	shalt  }
0x46: {  	_ =	shalt  }
0x47: {  	_ =	shalt  }
0x48: {  	_ =	shalt  }
0x49: {  	_ =	shalt  }
0x4a: {  	_ =	shalt  }
0x4b: {  	_ =	shalt  }
0x4c: {  	_ =	shalt  }
0x4d: {  	_ =	shalt  }
0x4e: {  	_ =	shalt  }
0x4f: {  	_ =	shalt  }
0x50: {  	_ =	shalt  }
0x51: {  	_ =	shalt  }
0x52: {  	_ =	shalt  }
0x53: {  	_ =	shalt  }
0x54: {  	_ =	shalt  }
0x55: {  	_ =	shalt  }
0x56: {  	_ =	shalt  }
0x57: {  	_ =	shalt  }
0x58: {  	_ =	shalt  }
0x59: {  	_ =	shalt  }
0x5a: {  	_ =	shalt  }
0x5b: {  	_ =	shalt  }
0x5c: {  	_ =	shalt  }
0x5d: {  	_ =	shalt  }
0x5e: {  	_ =	shalt  }
0x5f: {  	_ =	shalt  }
0x60: {  	_ =	shalt  }
0x61: {  	_ =	shalt  }
0x62: {  	_ =	shalt  }
0x63: {  	_ =	shalt  }
0x64: {  	_ =	shalt  }
0x65: {  	_ =	shalt  }
0x66: {  	_ =	shalt  }
0x67: {  	_ =	shalt  }
0x68: {  	_ =	shalt  }
0x69: {  	_ =	shalt  }
0x6a: {  	_ =	shalt  }
0x6b: {  	_ =	shalt  }
0x6c: {  	_ =	shalt  }
0x6d: {  	_ =	shalt  }
0x6e: {  	_ =	shalt  }
0x6f: {  	_ =	shalt  }
0x70: {  	_ =	shalt  }
0x71: {  	_ =	shalt  }
0x72: {  	_ =	shalt  }
0x73: {  	_ =	shalt  }
0x74: {  	_ =	shalt  }
0x75: {  	_ =	shalt  }
0x76: {  	_ =	shalt  }
0x77: {  	_ =	shalt  }
0x78: {  	_ =	shalt  }
0x79: {  	_ =	shalt  }
0x7a: {  	_ =	shalt  }
0x7b: {  	_ =	shalt  }
0x7c: {  	_ =	shalt  }
0x7d: {  	_ =	shalt  }
0x7e: {  	_ =	shalt  }
0x7f: {  	_ =	shalt  }
0x80: {  	_ =	shalt  }
0x81: {  	_ =	shalt  }
0x82: {  	_ =	shalt  }
0x83: {  	_ =	shalt  }
0x84: {  	_ =	shalt  }
0x85: {  	_ =	shalt  }
0x86: {  	_ =	shalt  }
0x87: {  	_ =	shalt  }
.Lfunc_end0:
.L_simem_size_0:
called_computation_lowered:
.L_overlay_start_0:
0x88: {  	s2 =	sld [smem:$0x3FD9]  }
0x89: {  	s3 =	sld [smem:$0x3FFE];
	_ =	sdelay $0x1  }
0x8a: {  	s1 =	srdreg.scid  }
0x8b: {  	s0 =	sand.u32 $0x1, s1  }
0x8c: {  	s14 =	sshll.u32 s0, $0xA;
	s2 =	sadd.s32 s3, s2  }
0x8d: {  	s2 =	sadd.s32 s2, s14  }
0x8e: {  	[smem:$0x3FC6] =	sst s2  }
0x8f: {  	_ = 	snop  }
0x90: {  	s2 =	sld [smem:$0x3FD0];
	_ =	sdelay $0x2  }
0x91: {  	s4 =	simm.s32 $0xA;
	s5 =	simm.s32 $0x10;
	s15 =	sld [smem:$0x3FC8]  }
0x92: {  	[smem:s5], [sflag:s4] =	dma.local [hbm:s2], $0x1  }
0x93: {  	_ =	swait.eq [sflag:s4], $0x1  }
0x94: {  	[sflag:s4] =	ssyncset.done $0x0  }
0x95: {  	[sflag:s4] =	ssyncadd.s32 $0xFFFFFFFF  }
0x96: {  	s16 =	sld [smem:$0x10];
	(tm) =	ssettm $0x1  }
0x97: {  	s17 =	sld [smem:$0x3FFB];
	_ =	sdelay $0x3  }
0x98: {  	_ =	strace s17  }
0x99: {  	s4 =	sld [smem:$0x3FFC];
	_ =	sdelay $0x3  }
0x9a: {  	_ =	strace s4  }
0x9b: {  	s4 =	sld [smem:$0x3FFD];
	_ =	sdelay $0x3  }
0x9c: {  	_ =	strace s4  }
0x9d: {  	_ =	strace $0x8FFFFFFF  }
0x9e: {  	s18 =	sld [smem:$0x3FDB];
	_ =	sdelay $0x1  }
0x9f: {  	s19 =	simm.s32 $_scs_section_size  }
0xa0: {  	s6 =	simm.s32 $_size__tile_overlayer_lowered;
	s7 =	simm.s32 $_tile_overlayer_lowered  }
0xa1: {  	s22 =	simm.s32 $0x1BFF;
	s21 =	sshll.u32 s7, $0x1;
	s4 =	sadd.s32 s19, s18  }
0xa2: {  	s8 =	simm.s32 $0x0;
	s20 =	sshll.u32 s6, $0x1;
	s6 =	sadd.s32 s21, s4  }
0xa3: {  	[timem:s8], [sflag:s22] =	dma.local [hbm:s6], s20  }
0xa4: {  	_ =	swait.ge [sflag:s22], s20  }
0xa5: {  	s5 =	ssub.s32 $0x0, s20;
	[sflag:s22] =	ssyncset.done $0x0  }
0xa6: {  	[sflag:s22] =	ssyncadd.s32 s5;
	_ =	sdelay $0x1  }
0xa7: {  	s23 =	simm.s32 $0x1B8B  }
0xa8: {  	_ =	swait.ge [sflag:s23], $0x1  }
0xa9: {  	[sflag:s23] =	ssyncset.done $0x0  }
0xaa: {  	s25 =	simm.s32 $0x1B8E;
	s24 =	sld [smem:$0x3FFE];
	[sflag:s23] =	ssyncadd.s32 $0xFFFFFFFF  }
0xab: {  	s26 =	simm.s32 $execute0_lowered;
	[smem:$0x3FD2] =	sst s25  }
0xac: {  	s6 =	sshll.u32 s26, $0x1;
	_ =	strace $0x80000046;
	[dreg:$0x1] =	wrdreg $0xFFFFFFFF  }
0xad: {  	s28 =	simm.s32 $_size_execute0_lowered;
	s4 =	sadd.s32 s4, s6;
	[dreg:$0x0] =	wrdreg $0x0  }
0xae: {  	s6 =	sshll.u32 s28, $0x1;
	[dreg:$0x2] =	wrdreg s4  }
0xaf: {  	[dreg:$0x3] =	wrdreg s6  }
0xb0: {  	[dreg:$0x4] =	wrdreg $0xC0  }
0xb1: {  	_ =	task [dreg:s8], $0x5FFFF  }
0xb2: {  	[dreg:$0x1] =	wrdreg $0xFFFFFFFF  }
0xb3: {  	[dreg:$0x0] =	wrdreg $0x60  }
0xb4: {  	[dreg:$0x2] =	wrdreg s15  }
0xb5: {  	[dreg:$0x3] =	wrdreg s16  }
0xb6: {  	[dreg:$0x4] =	wrdreg s24  }
0xb7: {  	[dreg:$0x5] =	wrdreg $0x9  }
0xb8: {  	_ =	task.clear_ibuf [dreg:s8], $0x6FFFF;
	_ =	strace $0x90000046  }
0xb9: {  	s29 =	simm.s32 $0x9;
	_ =	strace $0x80000048  }
0xba: {  	_ =	swait.ge [sflag:s29], $0x1  }
0xbb: {  	[sflag:s29] =	ssyncadd.s32 $0xFFFFFFFF  }
0xbc: {  	_ =	strace $0x90000048  }
0xbd: {  	_ =	sfence  }
0xbe: {  	s30 =	sld [smem:$0x0];
	_ =	sdelay $0x2  }
0xbf: {  	s31 =	sshll.u32 s1, $0xD;
	s1 =	sshrl.u32 s1, $0x2  }
0xc0: {  	s3 =	sand.u32 $0x4000, s31;
	s1 =	sadd.s32 s1, s30  }
0xc1: {  	s0 =	sor.u32 s3, s0;
	s1 =	sshll.u32 s1, $0x11  }
0xc2: {  	s0 =	sor.u32 s1, s0  }
0xc3: {  	s0 =	sadd.s32 $0x8F2B, s0  }
0xc4: {  	[sflag:s0] =	ssyncadd.remote.s32 $0x1  }
0xc5: {  	_ =	sfence.sel $0xFFFF  }
0xc6: {  	[dreg:$0x0] =	wrdreg $0xFFFFFFFF;
	(pc) =	sbr.abs _section_cstart, $3  }
0xc7: {  	[dreg:$0x1] =	wrdreg $0xFFFFFFFF  }
0xc8: {  	_ =	task.clear_ibuf [dreg:s8], $0x2FFFF;
	_ =	strace $0x9FFFFFFF  }
0xc9: {  	(tm) =	ssettm $0x7FFFFFFF  }
tec
execute0_lowered:
.L_overlay_start_1:
0x0: {  	(tag) =	ssettag $0x1  }
0x1: {  	s1 =	rddreg [dreg:$0x0]  }
0x2: {  	s10 =	rddreg [dreg:$0x1]  }
0x3: {  	s4 =	rddreg [dreg:$0x2]  }
0x4: {  	s0 =	rddreg [dreg:$0x3]  }
0x5: {  	s3 =	simm.s32 $0x0;
	s5 =	srdreg.scid;
	s2 =	stileid.u32  }
0x6: {  	s15 =	simm.s32 $0x880;
	s16 =	simm.s32 $0x1080;
	s17 =	simm.s32 $0x1880  }
0x7: {  	s18 =	simm.s32 $0x2080;
	s19 =	simm.s32 $0x2880;
	s20 =	simm.s32 $0x3080  }
0x8: {  	s28 =	simm.s32 $0x6880;
	s29 =	simm.s32 $0x7080;
	s30 =	simm.s32 $0x7880  }
0x9: {  	s31 =	simm.s32 $0x1;
	[smem:$0x7FF] =	sst s3;
	s5 =	sand.u32 $0x1, s5  }
0xa: {  	s7 =	sshll.u32 s2, $0xA;
	s6 =	ssub.s32 $0x2, s5;
	s5 =	sshll.u32 s5, $0x9  }
0xb: {  	s11 =	sadd.s32 $0x1C00, s4;
	s21 =	sshrl.u32 s6, $0x1;
	s9 =	sor.u32 s5, s7  }
0xc: {  	_ =	strace $0x80000047;
	s12 =	ssub.s32 s6, s21;
	s22 =	sshrl.u32 s9, $0x3  }
0xd: {  	s5 =	sshll.u32 s9, $0x5;
	s23 =	sor.u32 $0x80, s9;
	s13 =	sor.u32 $0x100, s9  }
0xe: {  	s14 =	sor.u32 $0x180, s9;
	s21 =	simm.s32 $0x3880;
	s4 =	sadd.s32 s10, s22  }
0xf: {  	s5 =	sadd.s32 s11, s5;
	s24 =	sshrl.u32 s23, $0x3;
	s8 =	sshll.u32 s23, $0x5  }
0x10: {  	s25 =	sshrl.u32 s13, $0x3;
	s13 =	sshll.u32 s13, $0x5;
	s26 =	sshrl.u32 s14, $0x3  }
0x11: {  	s14 =	sshll.u32 s14, $0x5;
	s12 =	smax.u32 s12, $0x1;
	s22 =	simm.s32 $0x4080  }
0x12: {  	s23 =	simm.s32 $0x4880;
	s6 =	sadd.s32 s10, s24;
	s7 =	sadd.s32 s11, s8  }
0x13: {  	v2 =	vlaneseq.u32;
	s8 =	sadd.s32 s10, s25;
	s9 =	sadd.s32 s11, s13;
	s10 =	sadd.s32 s10, s26  }
0x14: {  	vm0 =	vmmov $0xffff;
	v1 =	vshrl.u32 v2, $0x3;
	s11 =	sadd.s32 s11, s14;
	s13 =	simm.s32 $0x2;
	s14 =	simm.s32 $0x80  }
0x15: {  	v0 =	vand.u32 $0x7, v2;
	v2 =	vor.u32 $0x8, v2;
	v1 =	vmul.u32 $0x8, v1;
	s24 =	simm.s32 $0x5080;
	s25 =	simm.s32 $0x5880;
	s26 =	simm.s32 $0x6080  }
.LBB2_1:
0x16: {  	[tilespmem:s3], [sflag:$0x2] =	stream.linear.gather [hbm4b:s4+s3], $0x80, $0x38;
	[tilespmem:$0x8080] =	vst v63  }
0x17: {  	_ =	swait.ge [sflag:s13], $0x80  }
0x18: {  	[sflag:s13] =	ssyncset.done $0x0  }
0x19: {  	[sflag:s13] =	ssyncadd.s32 $0xFFFFFF80  }
0x1a: {  	v3 =	vld [tilespmem:$0x0];
	_ =	sdelay $0x4  }
0x1b: {  	v4 =	vshll.u32 v3, $0x1  }
0x1c: {  	v3 =	vand.u32 $0x7, v3;
	v4 =	vand.u32 $0xFFFFFFF0, v4  }
0x1d: {  	v3 =	vor.u32 v3, v4  }
0x1e: {  	v4 =	vperm.xlane v3, v0;
	_ =	sdelay $0x1  }
0x1f: {  	v3 =	vperm.xlane v3, v2;
	v4 =	vadd.s32 v1, v4;
	_ =	sdelay $0x1  }
0x20: {  	v3 =	vadd.s32 v1, v3;
	_ =	sdelay $0x2  }
0x21: {  	[tilespmem:s14], [sflag:$0x1] =	stream.indirect_vreg.gather [hbm4b:s1+s3], $0x80, v4, vm0, $0xb8;
	[tilespmem:$0x8080] =	vst v63  }
0x22: {  	_ = 	snop  }
0x23: {  	[tilespmem:s15], [sflag:$0x1] =	stream.indirect_vreg.gather [hbm4b:s1+s3], $0x80, v3, vm0, $0xb8;
	[tilespmem:$0x8080] =	vst v63  }
0x24: {  	v3 =	vld [tilespmem:$0x10];
	_ =	sdelay $0x4  }
0x25: {  	v33 =	vshll.u32 v3, $0x1  }
0x26: {  	v3 =	vand.u32 $0x7, v3;
	v4 =	vand.u32 $0xFFFFFFF0, v33  }
0x27: {  	v3 =	vor.u32 v3, v4  }
0x28: {  	v4 =	vperm.xlane v3, v0;
	_ =	sdelay $0x1  }
0x29: {  	v3 =	vperm.xlane v3, v2;
	v4 =	vadd.s32 v1, v4;
	_ =	sdelay $0x1  }
0x2a: {  	v3 =	vadd.s32 v1, v3;
	_ =	sdelay $0x2  }
0x2b: {  	[tilespmem:s16], [sflag:$0x1] =	stream.indirect_vreg.gather [hbm4b:s1+s3], $0x80, v4, vm0, $0xb8;
	[tilespmem:$0x8080] =	vst v63  }
0x2c: {  	_ = 	snop  }
0x2d: {  	[tilespmem:s17], [sflag:$0x1] =	stream.indirect_vreg.gather [hbm4b:s1+s3], $0x80, v3, vm0, $0xb8;
	[tilespmem:$0x8080] =	vst v63  }
0x2e: {  	v3 =	vld [tilespmem:$0x20];
	_ =	sdelay $0x4  }
0x2f: {  	v34 =	vshll.u32 v3, $0x1  }
0x30: {  	v3 =	vand.u32 $0x7, v3;
	v4 =	vand.u32 $0xFFFFFFF0, v34  }
0x31: {  	v3 =	vor.u32 v3, v4  }
0x32: {  	v4 =	vperm.xlane v3, v0;
	_ =	sdelay $0x1  }
0x33: {  	v3 =	vperm.xlane v3, v2;
	v4 =	vadd.s32 v1, v4;
	_ =	sdelay $0x1  }
0x34: {  	v3 =	vadd.s32 v1, v3;
	_ =	sdelay $0x2  }
0x35: {  	[tilespmem:s18], [sflag:$0x1] =	stream.indirect_vreg.gather [hbm4b:s1+s3], $0x80, v4, vm0, $0xb8;
	[tilespmem:$0x8080] =	vst v63  }
0x36: {  	_ = 	snop  }
0x37: {  	[tilespmem:s19], [sflag:$0x1] =	stream.indirect_vreg.gather [hbm4b:s1+s3], $0x80, v3, vm0, $0xb8;
	[tilespmem:$0x8080] =	vst v63  }
0x38: {  	v3 =	vld [tilespmem:$0x30];
	_ =	sdelay $0x4  }
0x39: {  	v35 =	vshll.u32 v3, $0x1  }
0x3a: {  	v3 =	vand.u32 $0x7, v3;
	v4 =	vand.u32 $0xFFFFFFF0, v35  }
0x3b: {  	v3 =	vor.u32 v3, v4  }
0x3c: {  	v4 =	vperm.xlane v3, v0;
	_ =	sdelay $0x1  }
0x3d: {  	v3 =	vperm.xlane v3, v2;
	v4 =	vadd.s32 v1, v4;
	_ =	sdelay $0x1  }
0x3e: {  	v3 =	vadd.s32 v1, v3;
	_ =	sdelay $0x2  }
0x3f: {  	[tilespmem:s20], [sflag:$0x1] =	stream.indirect_vreg.gather [hbm4b:s1+s3], $0x80, v4, vm0, $0xb8;
	[tilespmem:$0x8080] =	vst v63  }
0x40: {  	_ = 	snop  }
0x41: {  	[tilespmem:s21], [sflag:$0x1] =	stream.indirect_vreg.gather [hbm4b:s1+s3], $0x80, v3, vm0, $0xb8;
	[tilespmem:$0x8080] =	vst v63  }
0x42: {  	v3 =	vld [tilespmem:$0x40];
	_ =	sdelay $0x4  }
0x43: {  	v36 =	vshll.u32 v3, $0x1  }
0x44: {  	v3 =	vand.u32 $0x7, v3;
	v4 =	vand.u32 $0xFFFFFFF0, v36  }
0x45: {  	v3 =	vor.u32 v3, v4  }
0x46: {  	v4 =	vperm.xlane v3, v0;
	_ =	sdelay $0x1  }
0x47: {  	v3 =	vperm.xlane v3, v2;
	v4 =	vadd.s32 v1, v4;
	_ =	sdelay $0x1  }
0x48: {  	v3 =	vadd.s32 v1, v3;
	_ =	sdelay $0x2  }
0x49: {  	[tilespmem:s22], [sflag:$0x1] =	stream.indirect_vreg.gather [hbm4b:s1+s3], $0x80, v4, vm0, $0xb8;
	[tilespmem:$0x8080] =	vst v63  }
0x4a: {  	_ = 	snop  }
0x4b: {  	[tilespmem:s23], [sflag:$0x1] =	stream.indirect_vreg.gather [hbm4b:s1+s3], $0x80, v3, vm0, $0xb8;
	[tilespmem:$0x8080] =	vst v63  }
0x4c: {  	v3 =	vld [tilespmem:$0x50];
	_ =	sdelay $0x4  }
0x4d: {  	v37 =	vshll.u32 v3, $0x1  }
0x4e: {  	v3 =	vand.u32 $0x7, v3;
	v4 =	vand.u32 $0xFFFFFFF0, v37  }
0x4f: {  	v3 =	vor.u32 v3, v4  }
0x50: {  	v4 =	vperm.xlane v3, v0;
	_ =	sdelay $0x1  }
0x51: {  	v3 =	vperm.xlane v3, v2;
	v4 =	vadd.s32 v1, v4;
	_ =	sdelay $0x1  }
0x52: {  	v3 =	vadd.s32 v1, v3;
	_ =	sdelay $0x2  }
0x53: {  	[tilespmem:s24], [sflag:$0x1] =	stream.indirect_vreg.gather [hbm4b:s1+s3], $0x80, v4, vm0, $0xb8;
	[tilespmem:$0x8080] =	vst v63  }
0x54: {  	_ = 	snop  }
0x55: {  	[tilespmem:s25], [sflag:$0x1] =	stream.indirect_vreg.gather [hbm4b:s1+s3], $0x80, v3, vm0, $0xb8;
	[tilespmem:$0x8080] =	vst v63  }
0x56: {  	v3 =	vld [tilespmem:$0x60];
	_ =	sdelay $0x4  }
0x57: {  	v38 =	vshll.u32 v3, $0x1  }
0x58: {  	v3 =	vand.u32 $0x7, v3;
	v4 =	vand.u32 $0xFFFFFFF0, v38  }
0x59: {  	v3 =	vor.u32 v3, v4  }
0x5a: {  	v4 =	vperm.xlane v3, v0;
	_ =	sdelay $0x1  }
0x5b: {  	v3 =	vperm.xlane v3, v2;
	v4 =	vadd.s32 v1, v4;
	_ =	sdelay $0x1  }
0x5c: {  	v3 =	vadd.s32 v1, v3;
	_ =	sdelay $0x2  }
0x5d: {  	[tilespmem:s26], [sflag:$0x1] =	stream.indirect_vreg.gather [hbm4b:s1+s3], $0x80, v4, vm0, $0xb8;
	[tilespmem:$0x8080] =	vst v63  }
0x5e: {  	_ = 	snop  }
0x5f: {  	[tilespmem:s28], [sflag:$0x1] =	stream.indirect_vreg.gather [hbm4b:s1+s3], $0x80, v3, vm0, $0xb8;
	[tilespmem:$0x8080] =	vst v63  }
0x60: {  	v3 =	vld [tilespmem:$0x70];
	_ =	sdelay $0x4  }
0x61: {  	v39 =	vshll.u32 v3, $0x1  }
0x62: {  	v3 =	vand.u32 $0x7, v3;
	v4 =	vand.u32 $0xFFFFFFF0, v39  }
0x63: {  	v3 =	vor.u32 v3, v4  }
0x64: {  	v4 =	vperm.xlane v3, v0;
	_ =	sdelay $0x1  }
0x65: {  	v3 =	vperm.xlane v3, v2;
	v4 =	vadd.s32 v1, v4;
	_ =	sdelay $0x1  }
0x66: {  	v3 =	vadd.s32 v1, v3;
	_ =	sdelay $0x2  }
0x67: {  	[tilespmem:s29], [sflag:$0x1] =	stream.indirect_vreg.gather [hbm4b:s1+s3], $0x80, v4, vm0, $0xb8;
	[tilespmem:$0x8080] =	vst v63  }
0x68: {  	_ = 	snop  }
0x69: {  	[tilespmem:s30], [sflag:$0x1] =	stream.indirect_vreg.gather [hbm4b:s1+s3], $0x80, v3, vm0, $0xb8;
	[tilespmem:$0x8080] =	vst v63  }
0x6a: {  	_ =	swait.ge [sflag:s31], $0x8000  }
0x6b: {  	[sflag:s31] =	ssyncset.done $0x0  }
0x6c: {  	[sflag:s31] =	ssyncadd.s32 $0xFFFF8000  }
0x6d: {  	[hbm4b:s5+s3] =	stream.linear.scatter [tilespmem:s14], [sflag:$0x2], $0x8000, $0x38;
	[tilespmem:$0x8080] =	vst v63  }
0x6e: {  	_ =	swait.ge [sflag:s13], $0x8000  }
0x6f: {  	[sflag:s13] =	ssyncset.done $0x0  }
0x70: {  	[sflag:s13] =	ssyncadd.s32 $0xFFFF8000  }
0x71: {  	[tilespmem:s3], [sflag:$0x2] =	stream.linear.gather [hbm4b:s6+s3], $0x80, $0x38;
	[tilespmem:$0x8080] =	vst v63  }
0x72: {  	_ =	swait.ge [sflag:s13], $0x80  }
0x73: {  	[sflag:s13] =	ssyncset.done $0x0  }
0x74: {  	[sflag:s13] =	ssyncadd.s32 $0xFFFFFF80  }
0x75: {  	v3 =	vld [tilespmem:$0x0];
	_ =	sdelay $0x4  }
0x76: {  	v40 =	vshll.u32 v3, $0x1  }
0x77: {  	v3 =	vand.u32 $0x7, v3;
	v4 =	vand.u32 $0xFFFFFFF0, v40  }
0x78: {  	v3 =	vor.u32 v3, v4  }
0x79: {  	v4 =	vperm.xlane v3, v0;
	_ =	sdelay $0x1  }
0x7a: {  	v3 =	vperm.xlane v3, v2;
	v4 =	vadd.s32 v1, v4;
	_ =	sdelay $0x1  }
0x7b: {  	v3 =	vadd.s32 v1, v3;
	_ =	sdelay $0x2  }
0x7c: {  	[tilespmem:s14], [sflag:$0x1] =	stream.indirect_vreg.gather [hbm4b:s1+s3], $0x80, v4, vm0, $0xb8;
	[tilespmem:$0x8080] =	vst v63  }
0x7d: {  	_ = 	snop  }
0x7e: {  	[tilespmem:s15], [sflag:$0x1] =	stream.indirect_vreg.gather [hbm4b:s1+s3], $0x80, v3, vm0, $0xb8;
	[tilespmem:$0x8080] =	vst v63  }
0x7f: {  	v3 =	vld [tilespmem:$0x10];
	_ =	sdelay $0x4  }
0x80: {  	v41 =	vshll.u32 v3, $0x1  }
0x81: {  	v3 =	vand.u32 $0x7, v3;
	v4 =	vand.u32 $0xFFFFFFF0, v41  }
0x82: {  	v3 =	vor.u32 v3, v4  }
0x83: {  	v4 =	vperm.xlane v3, v0;
	_ =	sdelay $0x1  }
0x84: {  	v3 =	vperm.xlane v3, v2;
	v4 =	vadd.s32 v1, v4;
	_ =	sdelay $0x1  }
0x85: {  	v3 =	vadd.s32 v1, v3;
	_ =	sdelay $0x2  }
0x86: {  	[tilespmem:s16], [sflag:$0x1] =	stream.indirect_vreg.gather [hbm4b:s1+s3], $0x80, v4, vm0, $0xb8;
	[tilespmem:$0x8080] =	vst v63  }
0x87: {  	_ = 	snop  }
0x88: {  	[tilespmem:s17], [sflag:$0x1] =	stream.indirect_vreg.gather [hbm4b:s1+s3], $0x80, v3, vm0, $0xb8;
	[tilespmem:$0x8080] =	vst v63  }
0x89: {  	v3 =	vld [tilespmem:$0x20];
	_ =	sdelay $0x4  }
0x8a: {  	v42 =	vshll.u32 v3, $0x1  }
0x8b: {  	v3 =	vand.u32 $0x7, v3;
	v4 =	vand.u32 $0xFFFFFFF0, v42  }
0x8c: {  	v3 =	vor.u32 v3, v4  }
0x8d: {  	v4 =	vperm.xlane v3, v0;
	_ =	sdelay $0x1  }
0x8e: {  	v3 =	vperm.xlane v3, v2;
	v4 =	vadd.s32 v1, v4;
	_ =	sdelay $0x1  }
0x8f: {  	v3 =	vadd.s32 v1, v3;
	_ =	sdelay $0x2  }
0x90: {  	[tilespmem:s18], [sflag:$0x1] =	stream.indirect_vreg.gather [hbm4b:s1+s3], $0x80, v4, vm0, $0xb8;
	[tilespmem:$0x8080] =	vst v63  }
0x91: {  	_ = 	snop  }
0x92: {  	[tilespmem:s19], [sflag:$0x1] =	stream.indirect_vreg.gather [hbm4b:s1+s3], $0x80, v3, vm0, $0xb8;
	[tilespmem:$0x8080] =	vst v63  }
0x93: {  	v3 =	vld [tilespmem:$0x30];
	_ =	sdelay $0x4  }
0x94: {  	v43 =	vshll.u32 v3, $0x1  }
0x95: {  	v3 =	vand.u32 $0x7, v3;
	v4 =	vand.u32 $0xFFFFFFF0, v43  }
0x96: {  	v3 =	vor.u32 v3, v4  }
0x97: {  	v4 =	vperm.xlane v3, v0;
	_ =	sdelay $0x1  }
0x98: {  	v3 =	vperm.xlane v3, v2;
	v4 =	vadd.s32 v1, v4;
	_ =	sdelay $0x1  }
0x99: {  	v3 =	vadd.s32 v1, v3;
	_ =	sdelay $0x2  }
0x9a: {  	[tilespmem:s20], [sflag:$0x1] =	stream.indirect_vreg.gather [hbm4b:s1+s3], $0x80, v4, vm0, $0xb8;
	[tilespmem:$0x8080] =	vst v63  }
0x9b: {  	_ = 	snop  }
0x9c: {  	[tilespmem:s21], [sflag:$0x1] =	stream.indirect_vreg.gather [hbm4b:s1+s3], $0x80, v3, vm0, $0xb8;
	[tilespmem:$0x8080] =	vst v63  }
0x9d: {  	v3 =	vld [tilespmem:$0x40];
	_ =	sdelay $0x4  }
0x9e: {  	v44 =	vshll.u32 v3, $0x1  }
0x9f: {  	v3 =	vand.u32 $0x7, v3;
	v4 =	vand.u32 $0xFFFFFFF0, v44  }
0xa0: {  	v3 =	vor.u32 v3, v4  }
0xa1: {  	v4 =	vperm.xlane v3, v0;
	_ =	sdelay $0x1  }
0xa2: {  	v3 =	vperm.xlane v3, v2;
	v4 =	vadd.s32 v1, v4;
	_ =	sdelay $0x1  }
0xa3: {  	v3 =	vadd.s32 v1, v3;
	_ =	sdelay $0x2  }
0xa4: {  	[tilespmem:s22], [sflag:$0x1] =	stream.indirect_vreg.gather [hbm4b:s1+s3], $0x80, v4, vm0, $0xb8;
	[tilespmem:$0x8080] =	vst v63  }
0xa5: {  	_ = 	snop  }
0xa6: {  	[tilespmem:s23], [sflag:$0x1] =	stream.indirect_vreg.gather [hbm4b:s1+s3], $0x80, v3, vm0, $0xb8;
	[tilespmem:$0x8080] =	vst v63  }
0xa7: {  	v3 =	vld [tilespmem:$0x50];
	_ =	sdelay $0x4  }
0xa8: {  	v45 =	vshll.u32 v3, $0x1  }
0xa9: {  	v3 =	vand.u32 $0x7, v3;
	v4 =	vand.u32 $0xFFFFFFF0, v45  }
0xaa: {  	v3 =	vor.u32 v3, v4  }
0xab: {  	v4 =	vperm.xlane v3, v0;
	_ =	sdelay $0x1  }
0xac: {  	v3 =	vperm.xlane v3, v2;
	v4 =	vadd.s32 v1, v4;
	_ =	sdelay $0x1  }
0xad: {  	v3 =	vadd.s32 v1, v3;
	_ =	sdelay $0x2  }
0xae: {  	[tilespmem:s24], [sflag:$0x1] =	stream.indirect_vreg.gather [hbm4b:s1+s3], $0x80, v4, vm0, $0xb8;
	[tilespmem:$0x8080] =	vst v63  }
0xaf: {  	_ = 	snop  }
0xb0: {  	[tilespmem:s25], [sflag:$0x1] =	stream.indirect_vreg.gather [hbm4b:s1+s3], $0x80, v3, vm0, $0xb8;
	[tilespmem:$0x8080] =	vst v63  }
0xb1: {  	v3 =	vld [tilespmem:$0x60];
	_ =	sdelay $0x4  }
0xb2: {  	v46 =	vshll.u32 v3, $0x1  }
0xb3: {  	v3 =	vand.u32 $0x7, v3;
	v4 =	vand.u32 $0xFFFFFFF0, v46  }
0xb4: {  	v3 =	vor.u32 v3, v4  }
0xb5: {  	v4 =	vperm.xlane v3, v0;
	_ =	sdelay $0x1  }
0xb6: {  	v3 =	vperm.xlane v3, v2;
	v4 =	vadd.s32 v1, v4;
	_ =	sdelay $0x1  }
0xb7: {  	v3 =	vadd.s32 v1, v3;
	_ =	sdelay $0x2  }
0xb8: {  	[tilespmem:s26], [sflag:$0x1] =	stream.indirect_vreg.gather [hbm4b:s1+s3], $0x80, v4, vm0, $0xb8;
	[tilespmem:$0x8080] =	vst v63  }
0xb9: {  	_ = 	snop  }
0xba: {  	[tilespmem:s28], [sflag:$0x1] =	stream.indirect_vreg.gather [hbm4b:s1+s3], $0x80, v3, vm0, $0xb8;
	[tilespmem:$0x8080] =	vst v63  }
0xbb: {  	v3 =	vld [tilespmem:$0x70];
	_ =	sdelay $0x4  }
0xbc: {  	v47 =	vshll.u32 v3, $0x1  }
0xbd: {  	v3 =	vand.u32 $0x7, v3;
	v4 =	vand.u32 $0xFFFFFFF0, v47  }
0xbe: {  	v3 =	vor.u32 v3, v4  }
0xbf: {  	v4 =	vperm.xlane v3, v0;
	_ =	sdelay $0x1  }
0xc0: {  	v3 =	vperm.xlane v3, v2;
	v4 =	vadd.s32 v1, v4;
	_ =	sdelay $0x1  }
0xc1: {  	v3 =	vadd.s32 v1, v3;
	_ =	sdelay $0x2  }
0xc2: {  	[tilespmem:s29], [sflag:$0x1] =	stream.indirect_vreg.gather [hbm4b:s1+s3], $0x80, v4, vm0, $0xb8;
	[tilespmem:$0x8080] =	vst v63  }
0xc3: {  	_ = 	snop  }
0xc4: {  	[tilespmem:s30], [sflag:$0x1] =	stream.indirect_vreg.gather [hbm4b:s1+s3], $0x80, v3, vm0, $0xb8;
	[tilespmem:$0x8080] =	vst v63  }
0xc5: {  	_ =	swait.ge [sflag:s31], $0x8000  }
0xc6: {  	[sflag:s31] =	ssyncset.done $0x0  }
0xc7: {  	[sflag:s31] =	ssyncadd.s32 $0xFFFF8000  }
0xc8: {  	[hbm4b:s7+s3] =	stream.linear.scatter [tilespmem:s14], [sflag:$0x2], $0x8000, $0x38;
	[tilespmem:$0x8080] =	vst v63  }
0xc9: {  	_ =	swait.ge [sflag:s13], $0x8000  }
0xca: {  	[sflag:s13] =	ssyncset.done $0x0  }
0xcb: {  	[sflag:s13] =	ssyncadd.s32 $0xFFFF8000  }
0xcc: {  	[tilespmem:s3], [sflag:$0x2] =	stream.linear.gather [hbm4b:s8+s3], $0x80, $0x38;
	[tilespmem:$0x8080] =	vst v63  }
0xcd: {  	_ =	swait.ge [sflag:s13], $0x80  }
0xce: {  	[sflag:s13] =	ssyncset.done $0x0  }
0xcf: {  	[sflag:s13] =	ssyncadd.s32 $0xFFFFFF80  }
0xd0: {  	v3 =	vld [tilespmem:$0x0];
	_ =	sdelay $0x4  }
0xd1: {  	v48 =	vshll.u32 v3, $0x1  }
0xd2: {  	v3 =	vand.u32 $0x7, v3;
	v4 =	vand.u32 $0xFFFFFFF0, v48  }
0xd3: {  	v3 =	vor.u32 v3, v4  }
0xd4: {  	v4 =	vperm.xlane v3, v0;
	_ =	sdelay $0x1  }
0xd5: {  	v3 =	vperm.xlane v3, v2;
	v4 =	vadd.s32 v1, v4;
	_ =	sdelay $0x1  }
0xd6: {  	v3 =	vadd.s32 v1, v3;
	_ =	sdelay $0x2  }
0xd7: {  	[tilespmem:s14], [sflag:$0x1] =	stream.indirect_vreg.gather [hbm4b:s1+s3], $0x80, v4, vm0, $0xb8;
	[tilespmem:$0x8080] =	vst v63  }
0xd8: {  	_ = 	snop  }
0xd9: {  	[tilespmem:s15], [sflag:$0x1] =	stream.indirect_vreg.gather [hbm4b:s1+s3], $0x80, v3, vm0, $0xb8;
	[tilespmem:$0x8080] =	vst v63  }
0xda: {  	v3 =	vld [tilespmem:$0x10];
	_ =	sdelay $0x4  }
0xdb: {  	v49 =	vshll.u32 v3, $0x1  }
0xdc: {  	v3 =	vand.u32 $0x7, v3;
	v4 =	vand.u32 $0xFFFFFFF0, v49  }
0xdd: {  	v3 =	vor.u32 v3, v4  }
0xde: {  	v4 =	vperm.xlane v3, v0;
	_ =	sdelay $0x1  }
0xdf: {  	v3 =	vperm.xlane v3, v2;
	v4 =	vadd.s32 v1, v4;
	_ =	sdelay $0x1  }
0xe0: {  	v3 =	vadd.s32 v1, v3;
	_ =	sdelay $0x2  }
0xe1: {  	[tilespmem:s16], [sflag:$0x1] =	stream.indirect_vreg.gather [hbm4b:s1+s3], $0x80, v4, vm0, $0xb8;
	[tilespmem:$0x8080] =	vst v63  }
0xe2: {  	_ = 	snop  }
0xe3: {  	[tilespmem:s17], [sflag:$0x1] =	stream.indirect_vreg.gather [hbm4b:s1+s3], $0x80, v3, vm0, $0xb8;
	[tilespmem:$0x8080] =	vst v63  }
0xe4: {  	v3 =	vld [tilespmem:$0x20];
	_ =	sdelay $0x4  }
0xe5: {  	v50 =	vshll.u32 v3, $0x1  }
0xe6: {  	v3 =	vand.u32 $0x7, v3;
	v4 =	vand.u32 $0xFFFFFFF0, v50  }
0xe7: {  	v3 =	vor.u32 v3, v4  }
0xe8: {  	v4 =	vperm.xlane v3, v0;
	_ =	sdelay $0x1  }
0xe9: {  	v3 =	vperm.xlane v3, v2;
	v4 =	vadd.s32 v1, v4;
	_ =	sdelay $0x1  }
0xea: {  	v3 =	vadd.s32 v1, v3;
	_ =	sdelay $0x2  }
0xeb: {  	[tilespmem:s18], [sflag:$0x1] =	stream.indirect_vreg.gather [hbm4b:s1+s3], $0x80, v4, vm0, $0xb8;
	[tilespmem:$0x8080] =	vst v63  }
0xec: {  	_ = 	snop  }
0xed: {  	[tilespmem:s19], [sflag:$0x1] =	stream.indirect_vreg.gather [hbm4b:s1+s3], $0x80, v3, vm0, $0xb8;
	[tilespmem:$0x8080] =	vst v63  }
0xee: {  	v3 =	vld [tilespmem:$0x30];
	_ =	sdelay $0x4  }
0xef: {  	v51 =	vshll.u32 v3, $0x1  }
0xf0: {  	v3 =	vand.u32 $0x7, v3;
	v4 =	vand.u32 $0xFFFFFFF0, v51  }
0xf1: {  	v3 =	vor.u32 v3, v4  }
0xf2: {  	v4 =	vperm.xlane v3, v0;
	_ =	sdelay $0x1  }
0xf3: {  	v3 =	vperm.xlane v3, v2;
	v4 =	vadd.s32 v1, v4;
	_ =	sdelay $0x1  }
0xf4: {  	v3 =	vadd.s32 v1, v3;
	_ =	sdelay $0x2  }
0xf5: {  	[tilespmem:s20], [sflag:$0x1] =	stream.indirect_vreg.gather [hbm4b:s1+s3], $0x80, v4, vm0, $0xb8;
	[tilespmem:$0x8080] =	vst v63  }
0xf6: {  	_ = 	snop  }
0xf7: {  	[tilespmem:s21], [sflag:$0x1] =	stream.indirect_vreg.gather [hbm4b:s1+s3], $0x80, v3, vm0, $0xb8;
	[tilespmem:$0x8080] =	vst v63  }
0xf8: {  	v3 =	vld [tilespmem:$0x40];
	_ =	sdelay $0x4  }
0xf9: {  	v52 =	vshll.u32 v3, $0x1  }
0xfa: {  	v3 =	vand.u32 $0x7, v3;
	v4 =	vand.u32 $0xFFFFFFF0, v52  }
0xfb: {  	v3 =	vor.u32 v3, v4  }
0xfc: {  	v4 =	vperm.xlane v3, v0;
	_ =	sdelay $0x1  }
0xfd: {  	v3 =	vperm.xlane v3, v2;
	v4 =	vadd.s32 v1, v4;
	_ =	sdelay $0x1  }
0xfe: {  	v3 =	vadd.s32 v1, v3;
	_ =	sdelay $0x2  }
0xff: {  	[tilespmem:s22], [sflag:$0x1] =	stream.indirect_vreg.gather [hbm4b:s1+s3], $0x80, v4, vm0, $0xb8;
	[tilespmem:$0x8080] =	vst v63  }
0x100: {  	_ = 	snop  }
0x101: {  	[tilespmem:s23], [sflag:$0x1] =	stream.indirect_vreg.gather [hbm4b:s1+s3], $0x80, v3, vm0, $0xb8;
	[tilespmem:$0x8080] =	vst v63  }
0x102: {  	v3 =	vld [tilespmem:$0x50];
	_ =	sdelay $0x4  }
0x103: {  	v53 =	vshll.u32 v3, $0x1  }
0x104: {  	v3 =	vand.u32 $0x7, v3;
	v4 =	vand.u32 $0xFFFFFFF0, v53  }
0x105: {  	v3 =	vor.u32 v3, v4  }
0x106: {  	v4 =	vperm.xlane v3, v0;
	_ =	sdelay $0x1  }
0x107: {  	v3 =	vperm.xlane v3, v2;
	v4 =	vadd.s32 v1, v4;
	_ =	sdelay $0x1  }
0x108: {  	v3 =	vadd.s32 v1, v3;
	_ =	sdelay $0x2  }
0x109: {  	[tilespmem:s24], [sflag:$0x1] =	stream.indirect_vreg.gather [hbm4b:s1+s3], $0x80, v4, vm0, $0xb8;
	[tilespmem:$0x8080] =	vst v63  }
0x10a: {  	_ = 	snop  }
0x10b: {  	[tilespmem:s25], [sflag:$0x1] =	stream.indirect_vreg.gather [hbm4b:s1+s3], $0x80, v3, vm0, $0xb8;
	[tilespmem:$0x8080] =	vst v63  }
0x10c: {  	v3 =	vld [tilespmem:$0x60];
	_ =	sdelay $0x4  }
0x10d: {  	v54 =	vshll.u32 v3, $0x1  }
0x10e: {  	v3 =	vand.u32 $0x7, v3;
	v4 =	vand.u32 $0xFFFFFFF0, v54  }
0x10f: {  	v3 =	vor.u32 v3, v4  }
0x110: {  	v4 =	vperm.xlane v3, v0;
	_ =	sdelay $0x1  }
0x111: {  	v3 =	vperm.xlane v3, v2;
	v4 =	vadd.s32 v1, v4;
	_ =	sdelay $0x1  }
0x112: {  	v3 =	vadd.s32 v1, v3;
	_ =	sdelay $0x2  }
0x113: {  	[tilespmem:s26], [sflag:$0x1] =	stream.indirect_vreg.gather [hbm4b:s1+s3], $0x80, v4, vm0, $0xb8;
	[tilespmem:$0x8080] =	vst v63  }
0x114: {  	_ = 	snop  }
0x115: {  	[tilespmem:s28], [sflag:$0x1] =	stream.indirect_vreg.gather [hbm4b:s1+s3], $0x80, v3, vm0, $0xb8;
	[tilespmem:$0x8080] =	vst v63  }
0x116: {  	v3 =	vld [tilespmem:$0x70];
	_ =	sdelay $0x4  }
0x117: {  	v55 =	vshll.u32 v3, $0x1  }
0x118: {  	v3 =	vand.u32 $0x7, v3;
	v4 =	vand.u32 $0xFFFFFFF0, v55  }
0x119: {  	v3 =	vor.u32 v3, v4  }
0x11a: {  	v4 =	vperm.xlane v3, v0;
	_ =	sdelay $0x1  }
0x11b: {  	v3 =	vperm.xlane v3, v2;
	v4 =	vadd.s32 v1, v4;
	_ =	sdelay $0x1  }
0x11c: {  	v3 =	vadd.s32 v1, v3;
	_ =	sdelay $0x2  }
0x11d: {  	[tilespmem:s29], [sflag:$0x1] =	stream.indirect_vreg.gather [hbm4b:s1+s3], $0x80, v4, vm0, $0xb8;
	[tilespmem:$0x8080] =	vst v63  }
0x11e: {  	_ = 	snop  }
0x11f: {  	[tilespmem:s30], [sflag:$0x1] =	stream.indirect_vreg.gather [hbm4b:s1+s3], $0x80, v3, vm0, $0xb8;
	[tilespmem:$0x8080] =	vst v63  }
0x120: {  	_ =	swait.ge [sflag:s31], $0x8000  }
0x121: {  	[sflag:s31] =	ssyncset.done $0x0  }
0x122: {  	[sflag:s31] =	ssyncadd.s32 $0xFFFF8000  }
0x123: {  	[hbm4b:s9+s3] =	stream.linear.scatter [tilespmem:s14], [sflag:$0x2], $0x8000, $0x38;
	[tilespmem:$0x8080] =	vst v63  }
0x124: {  	_ =	swait.ge [sflag:s13], $0x8000  }
0x125: {  	[sflag:s13] =	ssyncset.done $0x0  }
0x126: {  	[sflag:s13] =	ssyncadd.s32 $0xFFFF8000  }
0x127: {  	[tilespmem:s3], [sflag:$0x2] =	stream.linear.gather [hbm4b:s10+s3], $0x80, $0x38;
	[tilespmem:$0x8080] =	vst v63  }
0x128: {  	_ =	swait.ge [sflag:s13], $0x80  }
0x129: {  	[sflag:s13] =	ssyncset.done $0x0  }
0x12a: {  	[sflag:s13] =	ssyncadd.s32 $0xFFFFFF80  }
0x12b: {  	v3 =	vld [tilespmem:$0x0];
	_ =	sdelay $0x4  }
0x12c: {  	v56 =	vshll.u32 v3, $0x1  }
0x12d: {  	v3 =	vand.u32 $0x7, v3;
	v4 =	vand.u32 $0xFFFFFFF0, v56  }
0x12e: {  	v3 =	vor.u32 v3, v4  }
0x12f: {  	v4 =	vperm.xlane v3, v0;
	_ =	sdelay $0x1  }
0x130: {  	v3 =	vperm.xlane v3, v2;
	v4 =	vadd.s32 v1, v4;
	_ =	sdelay $0x1  }
0x131: {  	v3 =	vadd.s32 v1, v3;
	_ =	sdelay $0x2  }
0x132: {  	[tilespmem:s14], [sflag:$0x1] =	stream.indirect_vreg.gather [hbm4b:s1+s3], $0x80, v4, vm0, $0xb8;
	[tilespmem:$0x8080] =	vst v63  }
0x133: {  	_ = 	snop  }
0x134: {  	[tilespmem:s15], [sflag:$0x1] =	stream.indirect_vreg.gather [hbm4b:s1+s3], $0x80, v3, vm0, $0xb8;
	[tilespmem:$0x8080] =	vst v63  }
0x135: {  	v3 =	vld [tilespmem:$0x10];
	_ =	sdelay $0x4  }
0x136: {  	v57 =	vshll.u32 v3, $0x1  }
0x137: {  	v3 =	vand.u32 $0x7, v3;
	v4 =	vand.u32 $0xFFFFFFF0, v57  }
0x138: {  	v3 =	vor.u32 v3, v4  }
0x139: {  	v4 =	vperm.xlane v3, v0;
	_ =	sdelay $0x1  }
0x13a: {  	v3 =	vperm.xlane v3, v2;
	v4 =	vadd.s32 v1, v4;
	_ =	sdelay $0x1  }
0x13b: {  	v3 =	vadd.s32 v1, v3;
	_ =	sdelay $0x2  }
0x13c: {  	[tilespmem:s16], [sflag:$0x1] =	stream.indirect_vreg.gather [hbm4b:s1+s3], $0x80, v4, vm0, $0xb8;
	[tilespmem:$0x8080] =	vst v63  }
0x13d: {  	_ = 	snop  }
0x13e: {  	[tilespmem:s17], [sflag:$0x1] =	stream.indirect_vreg.gather [hbm4b:s1+s3], $0x80, v3, vm0, $0xb8;
	[tilespmem:$0x8080] =	vst v63  }
0x13f: {  	v3 =	vld [tilespmem:$0x20];
	_ =	sdelay $0x4  }
0x140: {  	v58 =	vshll.u32 v3, $0x1  }
0x141: {  	v3 =	vand.u32 $0x7, v3;
	v4 =	vand.u32 $0xFFFFFFF0, v58  }
0x142: {  	v3 =	vor.u32 v3, v4  }
0x143: {  	v4 =	vperm.xlane v3, v0;
	_ =	sdelay $0x1  }
0x144: {  	v3 =	vperm.xlane v3, v2;
	v4 =	vadd.s32 v1, v4;
	_ =	sdelay $0x1  }
0x145: {  	v3 =	vadd.s32 v1, v3;
	_ =	sdelay $0x2  }
0x146: {  	[tilespmem:s18], [sflag:$0x1] =	stream.indirect_vreg.gather [hbm4b:s1+s3], $0x80, v4, vm0, $0xb8;
	[tilespmem:$0x8080] =	vst v63  }
0x147: {  	_ = 	snop  }
0x148: {  	[tilespmem:s19], [sflag:$0x1] =	stream.indirect_vreg.gather [hbm4b:s1+s3], $0x80, v3, vm0, $0xb8;
	[tilespmem:$0x8080] =	vst v63  }
0x149: {  	v3 =	vld [tilespmem:$0x30];
	_ =	sdelay $0x4  }
0x14a: {  	v59 =	vshll.u32 v3, $0x1  }
0x14b: {  	v3 =	vand.u32 $0x7, v3;
	v4 =	vand.u32 $0xFFFFFFF0, v59  }
0x14c: {  	v3 =	vor.u32 v3, v4  }
0x14d: {  	v4 =	vperm.xlane v3, v0;
	_ =	sdelay $0x1  }
0x14e: {  	v3 =	vperm.xlane v3, v2;
	v4 =	vadd.s32 v1, v4;
	_ =	sdelay $0x1  }
0x14f: {  	v3 =	vadd.s32 v1, v3;
	_ =	sdelay $0x2  }
0x150: {  	[tilespmem:s20], [sflag:$0x1] =	stream.indirect_vreg.gather [hbm4b:s1+s3], $0x80, v4, vm0, $0xb8;
	[tilespmem:$0x8080] =	vst v63  }
0x151: {  	_ = 	snop  }
0x152: {  	[tilespmem:s21], [sflag:$0x1] =	stream.indirect_vreg.gather [hbm4b:s1+s3], $0x80, v3, vm0, $0xb8;
	[tilespmem:$0x8080] =	vst v63  }
0x153: {  	v3 =	vld [tilespmem:$0x40];
	_ =	sdelay $0x4  }
0x154: {  	v60 =	vshll.u32 v3, $0x1  }
0x155: {  	v3 =	vand.u32 $0x7, v3;
	v4 =	vand.u32 $0xFFFFFFF0, v60  }
0x156: {  	v3 =	vor.u32 v3, v4  }
0x157: {  	v4 =	vperm.xlane v3, v0;
	_ =	sdelay $0x1  }
0x158: {  	v3 =	vperm.xlane v3, v2;
	v4 =	vadd.s32 v1, v4;
	_ =	sdelay $0x1  }
0x159: {  	v3 =	vadd.s32 v1, v3;
	_ =	sdelay $0x2  }
0x15a: {  	[tilespmem:s22], [sflag:$0x1] =	stream.indirect_vreg.gather [hbm4b:s1+s3], $0x80, v4, vm0, $0xb8;
	[tilespmem:$0x8080] =	vst v63  }
0x15b: {  	_ = 	snop  }
0x15c: {  	[tilespmem:s23], [sflag:$0x1] =	stream.indirect_vreg.gather [hbm4b:s1+s3], $0x80, v3, vm0, $0xb8;
	[tilespmem:$0x8080] =	vst v63  }
0x15d: {  	v3 =	vld [tilespmem:$0x50];
	_ =	sdelay $0x4  }
0x15e: {  	v61 =	vshll.u32 v3, $0x1  }
0x15f: {  	v3 =	vand.u32 $0x7, v3;
	v4 =	vand.u32 $0xFFFFFFF0, v61  }
0x160: {  	v3 =	vor.u32 v3, v4  }
0x161: {  	v4 =	vperm.xlane v3, v0;
	_ =	sdelay $0x1  }
0x162: {  	v3 =	vperm.xlane v3, v2;
	v4 =	vadd.s32 v1, v4;
	_ =	sdelay $0x1  }
0x163: {  	v3 =	vadd.s32 v1, v3;
	_ =	sdelay $0x2  }
0x164: {  	[tilespmem:s24], [sflag:$0x1] =	stream.indirect_vreg.gather [hbm4b:s1+s3], $0x80, v4, vm0, $0xb8;
	[tilespmem:$0x8080] =	vst v63  }
0x165: {  	_ = 	snop  }
0x166: {  	[tilespmem:s25], [sflag:$0x1] =	stream.indirect_vreg.gather [hbm4b:s1+s3], $0x80, v3, vm0, $0xb8;
	[tilespmem:$0x8080] =	vst v63  }
0x167: {  	v3 =	vld [tilespmem:$0x60];
	_ =	sdelay $0x4  }
0x168: {  	v62 =	vshll.u32 v3, $0x1  }
0x169: {  	v3 =	vand.u32 $0x7, v3;
	v4 =	vand.u32 $0xFFFFFFF0, v62  }
0x16a: {  	v3 =	vor.u32 v3, v4  }
0x16b: {  	v4 =	vperm.xlane v3, v0;
	_ =	sdelay $0x1  }
0x16c: {  	v3 =	vperm.xlane v3, v2;
	v4 =	vadd.s32 v1, v4;
	_ =	sdelay $0x1  }
0x16d: {  	v3 =	vadd.s32 v1, v3;
	_ =	sdelay $0x2  }
0x16e: {  	[tilespmem:s26], [sflag:$0x1] =	stream.indirect_vreg.gather [hbm4b:s1+s3], $0x80, v4, vm0, $0xb8;
	[tilespmem:$0x8080] =	vst v63  }
0x16f: {  	_ = 	snop  }
0x170: {  	[tilespmem:s28], [sflag:$0x1] =	stream.indirect_vreg.gather [hbm4b:s1+s3], $0x80, v3, vm0, $0xb8;
	[tilespmem:$0x8080] =	vst v63  }
0x171: {  	v3 =	vld [tilespmem:$0x70];
	_ =	sdelay $0x4  }
0x172: {  	v63 =	vshll.u32 v3, $0x1  }
0x173: {  	v3 =	vand.u32 $0x7, v3;
	v4 =	vand.u32 $0xFFFFFFF0, v63  }
0x174: {  	v3 =	vor.u32 v3, v4  }
0x175: {  	v4 =	vperm.xlane v3, v0;
	_ =	sdelay $0x1  }
0x176: {  	v3 =	vperm.xlane v3, v2;
	v4 =	vadd.s32 v1, v4;
	_ =	sdelay $0x1  }
0x177: {  	v3 =	vadd.s32 v1, v3;
	_ =	sdelay $0x2  }
0x178: {  	[tilespmem:s29], [sflag:$0x1] =	stream.indirect_vreg.gather [hbm4b:s1+s3], $0x80, v4, vm0, $0xb8;
	[tilespmem:$0x8080] =	vst v63  }
0x179: {  	_ = 	snop  }
0x17a: {  	[tilespmem:s30], [sflag:$0x1] =	stream.indirect_vreg.gather [hbm4b:s1+s3], $0x80, v3, vm0, $0xb8;
	[tilespmem:$0x8080] =	vst v63  }
0x17b: {  	_ =	swait.ge [sflag:s31], $0x8000  }
0x17c: {  	p0 =	sne.s32 s12, $0x1;
	[sflag:s31] =	ssyncset.done $0x0  }
.Ltmp0:
0x17d: {  	[sflag:s31] =	ssyncadd.s32 $0xFFFF8000;
	(pc) =	sbr.rel @p0 .LBB2_1-.Ltmp0, $4  }
0x17e: {  	[hbm4b:s11+s3] =	stream.linear.scatter [tilespmem:s14], [sflag:$0x2], $0x8000, $0x38;
	[tilespmem:$0x8080] =	vst v63  }
0x17f: {  	_ =	swait.ge [sflag:s13], $0x8000  }
0x180: {  	[sflag:s13] =	ssyncset.done $0x0  }
0x181: {  	s12 =	sadd.s32 $0xFFFFFFFF, s12;
	[sflag:s13] =	ssyncadd.s32 $0xFFFF8000  }
0x182: {  	_ =	sfence.sel $0x180000  }
0x183: {  	[bflag:$0x0] =	sbarrier.arrive $0xFFFF  }
0x184: {  	p0 =	sne.s32 s2, $0x0;
	_ =	strace $0x90000047  }
0x185: {  	s0 =	sadd.s32 @!p0 $0x100000, s0;
	[bflag:$0x2] =	sbarrier.arrive $0xFFFF  }
0x186: {  	[sflag:s0] =	ssyncadd.tile.s32 @!p0 $0x1;
	_ =	shalt  }
.Lfunc_end2:
_tile_overlayer_lowered:
.L_overlay_start_2:
0x187: {  	(tag) =	ssettag $0x2  }
0x188: {  	s0 =	rddreg [dreg:$0x0];
	s2 =	stileid.u32  }
0x189: {  	s1 =	rddreg [dreg:$0x1];
	p0 =	sne.s32 s2, $0x0  }
0x18a: {  	s3 =	rddreg [dreg:$0x2];
	[bflag:$0x3] =	sbarrier.arrive $0xFFFF;
	s2 =	simm.s32 @!p0 $0x1C02  }
0x18b: {  	[timem:s3], [sflag:s2] =	dma.local @!p0 [hbm:s0], s1  }
0x18c: {  	s0 =	simm.s32 @!p0 $0x2  }
0x18d: {  	_ =	swait.ge @!p0 [sflag:s0], s1  }
0x18e: {  	s1 =	ssub.s32 @!p0 $0x0, s1;
	[sflag:s0] =	ssyncset.done @!p0 $0x0  }
0x18f: {  	[sflag:s0] =	ssyncadd.s32 @!p0 s1  }
0x190: {  	[bflag:$0x3] =	sbarrier.arrive $0xFFFF  }
0x191: {  	_ =	shalt  }

</sc_bundles>
